<compile_context>
chip_gen: v7x
topology: tpu7x:2x2x1
jax: 0.10.2.dev20260603
libtpu: 0.0.44.dev20260713+nightly
codegen_flags: <defaults>
</compile_context>

<pallas_src>
import functools

import jax
import jax.numpy as jnp
import numpy as np
from jax.experimental import pallas as pl
from jax.experimental.pallas import tpu as pltpu
from jax.experimental.pallas import tpu_sc as plsc

NEG_INF = float("-inf")


def _topk_body(nchunk, chunk, nq, hidden_ref, wqi_ref, wqo_ref, keys_ref,
               q_ref, idx_ref, qt_s, m1_s, m2_s, i1_s, i2_s):
    c = pl.program_id(0)

    @pl.when(c == 0)
    def _init():
        qin = jax.lax.dot_general(hidden_ref[...], wqi_ref[...],
                                  (((1,), (1,)), ((), ())))
        q = jax.lax.dot_general(qin, wqo_ref[...],
                                (((1,), (1,)), ((), ())))
        q_ref[...] = q
        qt_s[...] = q[:nq].T
        m1_s[...] = jnp.full((1, nq), NEG_INF, jnp.float32)
        m2_s[...] = jnp.full((1, nq), NEG_INF, jnp.float32)
        i1_s[...] = jnp.zeros((1, nq), jnp.int32)
        i2_s[...] = jnp.zeros((1, nq), jnp.int32)

    sub = 1000
    sims = [jnp.dot(keys_ref[o:o + sub], qt_s[...],
                    preferred_element_type=jnp.float32)
            for o in range(0, chunk, sub)]

    for simt, base in [(sims[i], c * chunk + i * sub)
                       for i in range(chunk // sub)]:
        m1 = jnp.max(simt, axis=0, keepdims=True)
        eq1 = simt == m1
        sim2 = jnp.where(eq1, NEG_INF, simt)
        m2 = jnp.max(sim2, axis=0, keepdims=True)
        eq2 = simt == m2

        iota = jax.lax.broadcasted_iota(jnp.int32, (2, sub), 1)
        ia = (iota // 256).astype(jnp.bfloat16)
        ib = (iota % 256).astype(jnp.bfloat16)
        iab = jnp.concatenate([ia[0:1], ib[1:2]], axis=0)
        oh1 = eq1.astype(jnp.bfloat16)
        oh2 = eq2.astype(jnp.bfloat16)
        r1 = jax.lax.dot_general(iab, oh1, (((1,), (0,)), ((), ())),
                                 preferred_element_type=jnp.float32)
        r2 = jax.lax.dot_general(iab, oh2, (((1,), (0,)), ((), ())),
                                 preferred_element_type=jnp.float32)
        gi1 = (r1[0:1] * 256.0 + r1[1:2]).astype(jnp.int32) + base
        gi2 = (r2[0:1] * 256.0 + r2[1:2]).astype(jnp.int32) + base

        a1, a2, ia1, ia2 = m1_s[...], m2_s[...], i1_s[...], i2_s[...]
        c1 = a1 >= m1
        n_m1 = jnp.where(c1, a1, m1)
        n_i1 = jnp.where(c1, ia1, gi1)
        cx = jnp.where(c1, a2, a1)
        ix = jnp.where(c1, ia2, ia1)
        cy = jnp.where(c1, m1, m2)
        iy = jnp.where(c1, gi1, gi2)
        c2 = cx >= cy
        m1_s[...] = n_m1
        i1_s[...] = n_i1
        m2_s[...] = jnp.where(c2, cx, cy)
        i2_s[...] = jnp.where(c2, ix, iy)

    @pl.when(c == nchunk - 1)
    def _fin():
        idx_ref[...] = jnp.concatenate([i1_s[...], i2_s[...]], axis=0)


def _topk_call(hidden, index_keys, wq_in, wq_out):
    s, h = hidden.shape
    n, d = index_keys.shape
    chunk = 5000
    assert n % chunk == 0
    nchunk = n // chunk
    nq = (s + 1) // 2
    r = wq_in.shape[0]
    q, idx = pl.pallas_call(
        functools.partial(_topk_body, nchunk, chunk, nq),
        grid=(nchunk,),
        in_specs=[
            pl.BlockSpec((s, h), lambda c: (0, 0)),
            pl.BlockSpec((r, h), lambda c: (0, 0)),
            pl.BlockSpec((d, r), lambda c: (0, 0)),
            pl.BlockSpec((chunk, d), lambda c: (c, 0)),
        ],
        out_specs=[
            pl.BlockSpec((s, d), lambda c: (0, 0)),
            pl.BlockSpec((2, nq), lambda c: (0, 0)),
        ],
        out_shape=[
            jax.ShapeDtypeStruct((s, d), jnp.float32),
            jax.ShapeDtypeStruct((2, nq), jnp.int32),
        ],
        scratch_shapes=[
            pltpu.VMEM((d, nq), jnp.float32),
            pltpu.VMEM((1, nq), jnp.float32),
            pltpu.VMEM((1, nq), jnp.float32),
            pltpu.VMEM((1, nq), jnp.int32),
            pltpu.VMEM((1, nq), jnp.int32),
        ],
        compiler_params=pltpu.CompilerParams(
            dimension_semantics=("arbitrary",)),
    )(hidden, wq_in, wq_out, index_keys)
    return q, idx


def _gather_call(index_keys, index_values, flat_idx):
    n_idx = flat_idx.shape[1]
    d = index_keys.shape[1]
    window = 128
    mesh = plsc.VectorSubcoreMesh(core_axis_name="core",
                                  subcore_axis_name="subcore")

    @pl.kernel(
        out_type=(jax.ShapeDtypeStruct((n_idx, d), jnp.float32),
                  jax.ShapeDtypeStruct((n_idx, d), jnp.float32)),
        mesh=mesh,
    )
    def gather_kernel(keys_hbm, vals_hbm, i_hbm, ok_hbm, ov_hbm):
        def body(i_vmem, ok_vmem, ov_vmem):
            pltpu.sync_copy(keys_hbm.at[i_vmem.at[0]], ok_vmem)
            pltpu.sync_copy(vals_hbm.at[i_vmem.at[0]], ov_vmem)

        pltpu.emit_pipeline(
            body,
            grid=(n_idx // window,),
            in_specs=[pl.BlockSpec((1, window), index_map=lambda i: (0, i))],
            out_specs=[
                pl.BlockSpec((window, d), index_map=lambda i: (i, 0)),
                pl.BlockSpec((window, d), index_map=lambda i: (i, 0)),
            ],
            core_axis_name="subcore",
            dimension_semantics=(pltpu.PARALLEL,),
        )(i_hbm, ok_hbm, ov_hbm)

    return gather_kernel(index_keys, index_values, flat_idx)


def _layer_body(hid_ref, wl_ref, o_ref):
    o_ref[...] = jax.lax.dot_general(hid_ref[...], wl_ref[...],
                                     (((1,), (1,)), ((), ())))


def _layer_call(hidden, w_layer):
    s, h = hidden.shape
    bq = 512
    return pl.pallas_call(
        _layer_body,
        grid=(s // bq,),
        in_specs=[
            pl.BlockSpec((bq, h), lambda b: (b, 0)),
            pl.BlockSpec((h, h), lambda b: (0, 0)),
        ],
        out_specs=pl.BlockSpec((bq, h), lambda b: (b, 0)),
        out_shape=jax.ShapeDtypeStruct((s, h), jnp.float32),
        compiler_params=pltpu.CompilerParams(
            dimension_semantics=("parallel",)),
    )(hidden, w_layer)


def _attn_body(bq, scale, q_ref, kg_ref, vg_ref, lay_ref,
               wvi_ref, wvo_ref, o_ref):
    b = pl.program_id(0)
    sk = kg_ref.shape[0]
    scores = jax.lax.dot_general(q_ref[...], kg_ref[...],
                                 (((1,), (1,)), ((), ()))) * scale
    row = b * bq + jax.lax.broadcasted_iota(jnp.int32, (bq, 1), 0)
    col = jax.lax.broadcasted_iota(jnp.int32, (1, sk), 1)
    scores = jnp.where(col <= row, scores, NEG_INF)
    m = jnp.max(scores, axis=1, keepdims=True)
    e = jnp.exp(scores - m)
    p = e / jnp.sum(e, axis=1, keepdims=True)
    mome = jnp.dot(p, vg_ref[...], preferred_element_type=jnp.float32)
    pv = jax.lax.dot_general(mome, wvi_ref[...], (((1,), (1,)), ((), ())))
    proj = jax.lax.dot_general(pv, wvo_ref[...], (((1,), (1,)), ((), ())))
    o_ref[...] = lay_ref[...] + proj


def _attn_call(q, key_g, val_g, lay, wv_in, wv_out):
    s, d = q.shape
    h = lay.shape[1]
    sk = key_g.shape[0]
    r = wv_in.shape[0]
    bq = 512
    scale = 1.0 / np.sqrt(d)
    return pl.pallas_call(
        functools.partial(_attn_body, bq, scale),
        grid=(s // bq,),
        in_specs=[
            pl.BlockSpec((bq, d), lambda b: (b, 0)),
            pl.BlockSpec((sk, d), lambda b: (0, 0)),
            pl.BlockSpec((sk, d), lambda b: (0, 0)),
            pl.BlockSpec((bq, h), lambda b: (b, 0)),
            pl.BlockSpec((r, d), lambda b: (0, 0)),
            pl.BlockSpec((h, r), lambda b: (0, 0)),
        ],
        out_specs=pl.BlockSpec((bq, h), lambda b: (b, 0)),
        out_shape=jax.ShapeDtypeStruct((s, h), jnp.float32),
        compiler_params=pltpu.CompilerParams(
            dimension_semantics=("parallel",)),
    )(q, key_g, val_g, lay, wv_in, wv_out)


def kernel(hidden_states, index_keys, index_values, W_layer,
           Wq_in, Wq_out, Wv_in, Wv_out, index_k):
    b, s, h = hidden_states.shape
    hidden = hidden_states.reshape(s, h)
    q, idx = _topk_call(hidden, index_keys, Wq_in, Wq_out)
    nq = idx.shape[1]
    flat_idx = idx.T.reshape(1, 2 * nq)
    key_g, val_g = _gather_call(index_keys, index_values, flat_idx)
    lay = _layer_call(hidden, W_layer)
    out = _attn_call(q, key_g, val_g, lay, Wv_in, Wv_out)
    return out.reshape(b, s, h)

# --- scband reference (transcript-rebuilt; emitter-appended) ---
"""Pipeline reference for scband-mo-meadaptor-87058987090357 (READ-ONLY COPY).

The authoritative reference and input builder live on the scoring server;
editing this copy changes nothing except your own understanding.
"""

import jax, jax.numpy as jnp
import numpy as np


def setup_inputs(seed: int = 0) -> dict:
    key = jax.random.key(seed)
    ks = jax.random.split(key, 8)
    B, S, H = 1, 2048, 1024
    D, R, N = 128, 32, 100000
    return {
        "hidden_states": jax.random.normal(ks[0], (B, S, H), dtype=jnp.float32),
        "index_keys": jax.random.normal(ks[1], (N, D), dtype=jnp.float32) * 0.05,
        "index_values": jax.random.normal(ks[2], (N, D), dtype=jnp.float32) * 0.05,
        "W_layer": jax.random.normal(ks[3], (H, H), dtype=jnp.float32) * 0.02,
        "Wq_in": jax.random.normal(ks[4], (R, H), dtype=jnp.float32) * 0.02,
        "Wq_out": jax.random.normal(ks[5], (D, R), dtype=jnp.float32) * 0.02,
        "Wv_in": jax.random.normal(ks[6], (R, D), dtype=jnp.float32) * 0.02,
        "Wv_out": jax.random.normal(ks[7], (H, R), dtype=jnp.float32) * 0.02,
        "index_k": 2,
    }


def reference(hidden_states, index_keys, index_values, W_layer, Wq_in, Wq_out, Wv_in, Wv_out, index_k):
    B, S, H = hidden_states.shape
    # frozen base transformer layer stand-in (layer_outputs[0])
    layer_out = hidden_states @ W_layer.T
    # MoME query LoRA projection: hidden -> r -> index_dim
    query = (hidden_states @ Wq_in.T) @ Wq_out.T  # [B, S, D]
    D = query.shape[-1]
    qflat = query.reshape(B * S, D)
    # LaminiIndex.get_key_and_value: brute-force inner-product kNN over stored index
    sim = qflat @ index_keys.T  # [B*S, N]
    k_static = 2
    sim = sim + (index_k - k_static)
    _, idx = jax.lax.top_k(sim, k_static)  # [B*S, k]
    flat_idx = idx.reshape(-1)  # query-major then k, matches torch flat [Q*k, D]
    key_g = jnp.take(index_keys, flat_idx, axis=0).reshape(B, S * k_static, D)
    val_g = jnp.take(index_values, flat_idx, axis=0).reshape(B, S * k_static, D)
    # scaled_dot_product_attention(query, key, value, is_causal=True), dropout omitted (eval)
    scale = 1.0 / np.sqrt(D)
    scores = (query @ jnp.swapaxes(key_g, -1, -2)) * scale  # [B, S, S*k]
    causal = jnp.arange(S * k_static)[None, :] <= jnp.arange(S)[:, None]  # torch top-left tril
    scores = jnp.where(causal[None, :, :], scores, -jnp.inf)
    attn = jax.nn.softmax(scores, axis=-1)
    mome_out = attn @ val_g  # [B, S, D]
    # value LoRA projection: index_dim -> r -> hidden
    proj = (mome_out @ Wv_in.T) @ Wv_out.T  # [B, S, H]
    return layer_out + proj

if __name__ == "__main__":
    import jax
    _d = setup_inputs()
    print(jax.jit(kernel)(*tuple(_d.values())))

</pallas_src>

<mosaic_0001>
#map = affine_map<(d0, d1) -> (0, 0)>
module attributes {stable_mosaic.version = 14 : i64} {
  func.func @gather_kernel(%arg0: i32, %arg1: i32, %arg2: memref<100000x128xf32, #tpu.memory_space<hbm>>, %arg3: memref<100000x128xf32, #tpu.memory_space<hbm>>, %arg4: memref<1x2048xi32, #tpu.memory_space<hbm>>, %arg5: memref<2048x128xf32, #tpu.memory_space<hbm>>, %arg6: memref<2048x128xf32, #tpu.memory_space<hbm>>) attributes {dimension_semantics = [#tpu.dimension_semantics<core_parallel>, #tpu.dimension_semantics<subcore_parallel>], iteration_bounds = array<i64: 2, 16>, scalar_prefetch = 0 : i64, scratch_operands = 0 : i64, tpu.core_type = #tpu.core_type<sc_vector_subcore>, window_params = [{transform_indices = #map}, {transform_indices = #map}, {transform_indices = #map}, {transform_indices = #map}, {transform_indices = #map}]} {
    %mul3A = arith.constant 1 : i32
    %mul3A_0 = arith.muli %arg1, %mul3A : i32
    "tpu.region"() ({
      %run_scoped3A = memref.alloca() : memref<2x1x128xi32, #tpu.memory_space<vmem>>
      %run_scoped3A_1 = tpu.sem_alloc : memref<2x!tpu.dma_semaphore, #tpu.memory_space<semaphore_mem>>
      %run_scoped3A_2 = memref.alloca() : memref<2x128x128xf32, #tpu.memory_space<vmem>>
      %run_scoped3A_3 = tpu.sem_alloc : memref<2x!tpu.dma_semaphore, #tpu.memory_space<semaphore_mem>>
      %run_scoped3A_4 = memref.alloca() : memref<2x128x128xf32, #tpu.memory_space<vmem>>
      %run_scoped3A_5 = tpu.sem_alloc : memref<2x!tpu.dma_semaphore, #tpu.memory_space<semaphore_mem>>
      %add3A = arith.constant 0 : i32
      %add3A_6 = arith.addi %add3A, %mul3A_0 : i32
      %select_n3A = arith.constant true
      %select_n3A_7 = arith.constant 0 : i32
      %select_n3A_8 = arith.constant -1 : i32
      %select_n3A_9 = arith.select %select_n3A, %select_n3A_8, %select_n3A_7 : i32
      %eq3A = arith.constant -1 : i32
      %eq3A_10 = arith.cmpi eq, %select_n3A_9, %eq3A : i32
      %select_n3A_11 = arith.constant 0 : i32
      %select_n3A_12 = arith.select %eq3A_10, %select_n3A_11, %select_n3A_9 : i32
      %add3A_13 = arith.constant 0 : i32
      %add3A_14 = arith.addi %add3A_13, %mul3A_0 : i32
      %select_n3A_15 = arith.constant true
      %select_n3A_16 = arith.constant 0 : i32
      %select_n3A_17 = arith.constant 1 : i32
      %select_n3A_18 = arith.select %select_n3A_15, %select_n3A_17, %select_n3A_16 : i32
      %eq3A_19 = arith.constant 1 : i32
      %eq3A_20 = arith.cmpi eq, %select_n3A_18, %eq3A_19 : i32
      %select_n3A_21 = arith.constant 0 : i32
      %select_n3A_22 = arith.select %eq3A_20, %select_n3A_21, %select_n3A_18 : i32
      %add3A_23 = arith.constant 0 : i32
      %add3A_24 = arith.addi %add3A_23, %mul3A_0 : i32
      %select_n3A_25 = arith.constant true
      %select_n3A_26 = arith.constant 0 : i32
      %select_n3A_27 = arith.constant 1 : i32
      %select_n3A_28 = arith.select %select_n3A_25, %select_n3A_27, %select_n3A_26 : i32
      %eq3A_29 = arith.constant 1 : i32
      %eq3A_30 = arith.cmpi eq, %select_n3A_28, %eq3A_29 : i32
      %select_n3A_31 = arith.constant 0 : i32
      %select_n3A_32 = arith.select %eq3A_30, %select_n3A_31, %select_n3A_28 : i32
      %add3A_33 = arith.constant 0 : i32
      %add3A_34 = arith.addi %add3A_33, %mul3A_0 : i32
      "tpu.trace_start"() <{level = 10 : i32, message = "ep_initialize_0"}> : () -> ()
      %rem3A = arith.constant 0 : i32
      %rem3A_35 = arith.constant 2 : i32
      %rem3A_36 = arith.remui %rem3A, %rem3A_35 : i32
      %mul3A_37 = arith.constant 128 : i32
      %mul3A_38 = arith.muli %mul3A_37, %add3A_6 : i32
      %dma_start3A = arith.constant 0 : i32
      %dma_start3A_39 = arith.constant 0 : i32
      %dma_start3A_40 = tpu.memref_slice %run_scoped3A[%rem3A_36, %dma_start3A, %dma_start3A_39] : memref<2x1x128xi32, #tpu.memory_space<vmem>> -> memref<1x1x128xi32, #tpu.memory_space<vmem>>
      %dma_start3A_41 = tpu.memref_squeeze %dma_start3A_40 : memref<1x1x128xi32, #tpu.memory_space<vmem>> -> memref<1x128xi32, #tpu.memory_space<vmem>>
      %dma_start3A_42 = arith.constant 0 : i32
      %dma_start3A_43 = tpu.memref_slice %arg4[%dma_start3A_42, %mul3A_38] : memref<1x2048xi32, #tpu.memory_space<hbm>> -> memref<1x128xi32, #tpu.memory_space<hbm>>
      %dma_start3A_44 = tpu.memref_slice %run_scoped3A_1[%rem3A_36] : memref<2x!tpu.dma_semaphore, #tpu.memory_space<semaphore_mem>> -> memref<1x!tpu.dma_semaphore, #tpu.memory_space<semaphore_mem>>
      %dma_start3A_45 = tpu.memref_squeeze %dma_start3A_44 : memref<1x!tpu.dma_semaphore, #tpu.memory_space<semaphore_mem>> -> memref<!tpu.dma_semaphore, #tpu.memory_space<semaphore_mem>>
      %dma_start3A_46 = arith.constant 0 : i32
      %dma_start3A_47 = arith.constant 0 : i32
      %dma_start3A_48 = tpu.memref_slice %run_scoped3A[%rem3A_36, %dma_start3A_46, %dma_start3A_47] : memref<2x1x128xi32, #tpu.memory_space<vmem>> -> memref<1x1x128xi32, #tpu.memory_space<vmem>>
      %dma_start3A_49 = tpu.memref_squeeze %dma_start3A_48 : memref<1x1x128xi32, #tpu.memory_space<vmem>> -> memref<1x128xi32, #tpu.memory_space<vmem>>
      %dma_start3A_50 = arith.constant 0 : i32
      %dma_start3A_51 = tpu.memref_slice %arg4[%dma_start3A_50, %mul3A_38] : memref<1x2048xi32, #tpu.memory_space<hbm>> -> memref<1x128xi32, #tpu.memory_space<hbm>>
      tpu.enqueue_dma source(%dma_start3A_51 : memref<1x128xi32, #tpu.memory_space<hbm>>) target(%dma_start3A_49 : memref<1x128xi32, #tpu.memory_space<vmem>>) target_semaphore(%dma_start3A_45 : memref<!tpu.dma_semaphore, #tpu.memory_space<semaphore_mem>>)
      %add3A_52 = arith.constant 0 : i32
      %add3A_53 = arith.constant 1 : i32
      %add3A_54 = arith.addi %add3A_52, %add3A_53 : i32
      %select_n3A_55 = arith.constant true
      %select_n3A_56 = arith.constant 0 : i32
      %select_n3A_57 = arith.select %select_n3A_55, %add3A_54, %select_n3A_56 : i32
      "tpu.trace_stop"() : () -> ()
      %scan3A = arith.constant 0 : i32
      %scan3A_58 = arith.constant 0 : i32
      %scan3A_59 = arith.constant 0 : i32
      %scan3A_60 = arith.constant 0 : i32
      %scan3A_61 = arith.constant 0 : i32
      %scan3A_62 = arith.constant 0 : i32
      %scan3A_63 = arith.constant 0 : i32
      %eq3A_64 = arith.constant 0 : i32
      %eq3A_65 = arith.cmpi eq, %scan3A_63, %eq3A_64 : i32
      %eq3A_66 = arith.constant 0 : i32
      %eq3A_67 = arith.cmpi eq, %scan3A_63, %eq3A_66 : i32
      %add3A_68 = arith.constant 0 : i32
      %add3A_69 = arith.addi %add3A_68, %mul3A_0 : i32
      %select_n3A_70 = arith.constant true
      %select_n3A_71 = arith.constant 0 : i32
      %select_n3A_72 = arith.constant -1 : i32
      %select_n3A_73 = arith.select %select_n3A_70, %select_n3A_72, %select_n3A_71 : i32
      %eq3A_74 = arith.constant -1 : i32
      %eq3A_75 = arith.cmpi eq, %select_n3A_73, %eq3A_74 : i32
      %select_n3A_76 = arith.constant 0 : i32
      %select_n3A_77 = arith.select %eq3A_75, %select_n3A_76, %select_n3A_73 : i32
      %add3A_78 = arith.constant 0 : i32
      %add3A_79 = arith.addi %add3A_78, %mul3A_0 : i32
      %select_n3A_80 = arith.constant true
      %select_n3A_81 = arith.constant 0 : i32
      %select_n3A_82 = arith.constant 1 : i32
      %select_n3A_83 = arith.select %select_n3A_80, %select_n3A_82, %select_n3A_81 : i32
      %eq3A_84 = arith.constant 1 : i32
      %eq3A_85 = arith.cmpi eq, %select_n3A_83, %eq3A_84 : i32
      %select_n3A_86 = arith.constant 0 : i32
      %select_n3A_87 = arith.select %eq3A_85, %select_n3A_86, %select_n3A_83 : i32
      %add3A_88 = arith.constant 0 : i32
      %add3A_89 = arith.addi %add3A_88, %mul3A_0 : i32
      %select_n3A_90 = arith.constant true
      %select_n3A_91 = arith.constant 0 : i32
      %select_n3A_92 = arith.constant 1 : i32
      %select_n3A_93 = arith.select %select_n3A_90, %select_n3A_92, %select_n3A_91 : i32
      %eq3A_94 = arith.constant 1 : i32
      %eq3A_95 = arith.cmpi eq, %select_n3A_93, %eq3A_94 : i32
      %select_n3A_96 = arith.constant 0 : i32
      %select_n3A_97 = arith.select %eq3A_95, %select_n3A_96, %select_n3A_93 : i32
      %add3A_98 = arith.constant 0 : i32
      %add3A_99 = arith.addi %add3A_98, %mul3A_0 : i32
      %ne3A = arith.cmpi ne, %add3A_69, %add3A_89 : i32
      %or3A = arith.constant false
      %or3A_100 = arith.ori %or3A, %ne3A : i1
      %ge3A = arith.constant 0 : i32
      %ge3A_101 = arith.cmpi sge, %scan3A_63, %ge3A : i32
      %not3A = arith.constant true
      %not3A_102 = arith.xori %ge3A_101, %not3A : i1
      %and3A = arith.andi %or3A_100, %not3A_102 : i1
      %convert_element_type3A = arith.extui %and3A : i1 to i32
      %cond3A = arith.constant 0 : i32
      %cond3A_103 = arith.cmpi ne, %convert_element_type3A, %cond3A : i32
      scf.if %cond3A_103 {
        "tpu.trace_start"() <{level = 10 : i32, message = "ep_copy_in"}> : () -> ()
        %rem3A_333 = arith.constant 2 : i32
        %rem3A_334 = arith.remui %select_n3A_57, %rem3A_333 : i32
        %mul3A_335 = arith.constant 128 : i32
        %mul3A_336 = arith.muli %mul3A_335, %add3A_89 : i32
        %dma_start3A_337 = arith.constant 0 : i32
        %dma_start3A_338 = arith.constant 0 : i32
        %dma_start3A_339 = tpu.memref_slice %run_scoped3A[%rem3A_334, %dma_start3A_337, %dma_start3A_338] : memref<2x1x128xi32, #tpu.memory_space<vmem>> -> memref<1x1x128xi32, #tpu.memory_space<vmem>>
        %dma_start3A_340 = tpu.memref_squeeze %dma_start3A_339 : memref<1x1x128xi32, #tpu.memory_space<vmem>> -> memref<1x128xi32, #tpu.memory_space<vmem>>
        %dma_start3A_341 = arith.constant 0 : i32
        %dma_start3A_342 = tpu.memref_slice %arg4[%dma_start3A_341, %mul3A_336] : memref<1x2048xi32, #tpu.memory_space<hbm>> -> memref<1x128xi32, #tpu.memory_space<hbm>>
        %dma_start3A_343 = tpu.memref_slice %run_scoped3A_1[%rem3A_334] : memref<2x!tpu.dma_semaphore, #tpu.memory_space<semaphore_mem>> -> memref<1x!tpu.dma_semaphore, #tpu.memory_space<semaphore_mem>>
        %dma_start3A_344 = tpu.memref_squeeze %dma_start3A_343 : memref<1x!tpu.dma_semaphore, #tpu.memory_space<semaphore_mem>> -> memref<!tpu.dma_semaphore, #tpu.memory_space<semaphore_mem>>
        %dma_start3A_345 = arith.constant 0 : i32
        %dma_start3A_346 = arith.constant 0 : i32
        %dma_start3A_347 = tpu.memref_slice %run_scoped3A[%rem3A_334, %dma_start3A_345, %dma_start3A_346] : memref<2x1x128xi32, #tpu.memory_space<vmem>> -> memref<1x1x128xi32, #tpu.memory_space<vmem>>
        %dma_start3A_348 = tpu.memref_squeeze %dma_start3A_347 : memref<1x1x128xi32, #tpu.memory_space<vmem>> -> memref<1x128xi32, #tpu.memory_space<vmem>>
        %dma_start3A_349 = arith.constant 0 : i32
        %dma_start3A_350 = tpu.memref_slice %arg4[%dma_start3A_349, %mul3A_336] : memref<1x2048xi32, #tpu.memory_space<hbm>> -> memref<1x128xi32, #tpu.memory_space<hbm>>
        tpu.enqueue_dma source(%dma_start3A_350 : memref<1x128xi32, #tpu.memory_space<hbm>>) target(%dma_start3A_348 : memref<1x128xi32, #tpu.memory_space<vmem>>) target_semaphore(%dma_start3A_344 : memref<!tpu.dma_semaphore, #tpu.memory_space<semaphore_mem>>)
        "tpu.trace_stop"() : () -> ()
      } else {
      }
      %and3A_104 = arith.constant true
      %and3A_105 = arith.andi %and3A, %and3A_104 : i1
      %add3A_106 = arith.constant 1 : i32
      %add3A_107 = arith.addi %select_n3A_57, %add3A_106 : i32
      %select_n3A_108 = arith.select %and3A_105, %add3A_107, %select_n3A_57 : i32
      %ne3A_109 = arith.cmpi ne, %add3A_69, %add3A_89 : i32
      %or3A_110 = arith.constant false
      %or3A_111 = arith.ori %or3A_110, %ne3A_109 : i1
      %or3A_112 = arith.constant false
      %or3A_113 = arith.ori %or3A_111, %or3A_112 : i1
      %ge3A_114 = arith.constant 0 : i32
      %ge3A_115 = arith.cmpi sge, %scan3A_63, %ge3A_114 : i32
      %not3A_116 = arith.constant true
      %not3A_117 = arith.xori %ge3A_115, %not3A_116 : i1
      %and3A_118 = arith.andi %or3A_113, %not3A_117 : i1
      %ne3A_119 = arith.cmpi ne, %add3A_69, %add3A_89 : i32
      %or3A_120 = arith.constant false
      %or3A_121 = arith.ori %or3A_120, %ne3A_119 : i1
      %or3A_122 = arith.constant false
      %or3A_123 = arith.ori %or3A_121, %or3A_122 : i1
      %ge3A_124 = arith.constant 0 : i32
      %ge3A_125 = arith.cmpi sge, %scan3A_63, %ge3A_124 : i32
      %not3A_126 = arith.constant true
      %not3A_127 = arith.xori %ge3A_125, %not3A_126 : i1
      %and3A_128 = arith.andi %or3A_123, %not3A_127 : i1
      %ne3A_129 = arith.cmpi ne, %add3A_69, %add3A_79 : i32
      %or3A_130 = arith.constant false
      %or3A_131 = arith.ori %or3A_130, %ne3A_129 : i1
      %or3A_132 = arith.ori %or3A_131, %eq3A_65 : i1
      %convert_element_type3A_133 = arith.extui %or3A_132 : i1 to i32
      %cond3A_134 = arith.constant 0 : i32
      %cond3A_135 = arith.cmpi ne, %convert_element_type3A_133, %cond3A_134 : i32
      scf.if %cond3A_135 {
        "tpu.trace_start"() <{level = 10 : i32, message = "ep_wait_in"}> : () -> ()
        %mul3A_333 = arith.constant 128 : i32
        %mul3A_334 = arith.muli %mul3A_333, %add3A_69 : i32
        %rem3A_335 = arith.constant 2 : i32
        %rem3A_336 = arith.remui %scan3A, %rem3A_335 : i32
        %dma_wait3A_337 = arith.constant 0 : i32
        %dma_wait3A_338 = arith.constant 0 : i32
        %dma_wait3A_339 = tpu.memref_slice %run_scoped3A[%rem3A_336, %dma_wait3A_337, %dma_wait3A_338] : memref<2x1x128xi32, #tpu.memory_space<vmem>> -> memref<1x1x128xi32, #tpu.memory_space<vmem>>
        %dma_wait3A_340 = tpu.memref_squeeze %dma_wait3A_339 : memref<1x1x128xi32, #tpu.memory_space<vmem>> -> memref<1x128xi32, #tpu.memory_space<vmem>>
        %dma_wait3A_341 = arith.constant 0 : i32
        %dma_wait3A_342 = tpu.memref_slice %arg4[%dma_wait3A_341, %mul3A_334] : memref<1x2048xi32, #tpu.memory_space<hbm>> -> memref<1x128xi32, #tpu.memory_space<hbm>>
        %dma_wait3A_343 = tpu.memref_slice %run_scoped3A_1[%rem3A_336] : memref<2x!tpu.dma_semaphore, #tpu.memory_space<semaphore_mem>> -> memref<1x!tpu.dma_semaphore, #tpu.memory_space<semaphore_mem>>
        %dma_wait3A_344 = tpu.memref_squeeze %dma_wait3A_343 : memref<1x!tpu.dma_semaphore, #tpu.memory_space<semaphore_mem>> -> memref<!tpu.dma_semaphore, #tpu.memory_space<semaphore_mem>>
        %dma_wait3A_345 = arith.constant 0 : i32
        %dma_wait3A_346 = arith.constant 0 : i32
        %dma_wait3A_347 = tpu.memref_slice %run_scoped3A[%rem3A_336, %dma_wait3A_345, %dma_wait3A_346] : memref<2x1x128xi32, #tpu.memory_space<vmem>> -> memref<1x1x128xi32, #tpu.memory_space<vmem>>
        %dma_wait3A_348 = tpu.memref_squeeze %dma_wait3A_347 : memref<1x1x128xi32, #tpu.memory_space<vmem>> -> memref<1x128xi32, #tpu.memory_space<vmem>>
        %dma_wait3A_349 = arith.constant 0 : i32
        %dma_wait3A_350 = tpu.memref_slice %arg4[%dma_wait3A_349, %mul3A_334] : memref<1x2048xi32, #tpu.memory_space<hbm>> -> memref<1x128xi32, #tpu.memory_space<hbm>>
        tpu.wait_dma2 semaphore(%dma_wait3A_344 : memref<!tpu.dma_semaphore, #tpu.memory_space<semaphore_mem>>) src(%dma_wait3A_350 : memref<1x128xi32, #tpu.memory_space<hbm>>) dst(%dma_wait3A_348 : memref<1x128xi32, #tpu.memory_space<vmem>>)
        "tpu.trace_stop"() : () -> ()
      } else {
      }
      %ne3A_136 = arith.cmpi ne, %add3A_69, %add3A_79 : i32
      %or3A_137 = arith.constant false
      %or3A_138 = arith.ori %or3A_137, %ne3A_136 : i1
      %or3A_139 = arith.constant false
      %or3A_140 = arith.ori %or3A_138, %or3A_139 : i1
      %or3A_141 = arith.ori %or3A_140, %eq3A_65 : i1
      %convert_element_type3A_142 = arith.extui %or3A_141 : i1 to i32
      %cond3A_143 = arith.constant 0 : i32
      %cond3A_144 = arith.cmpi ne, %convert_element_type3A_142, %cond3A_143 : i32
      scf.if %cond3A_144 {
      } else {
      }
      %ne3A_145 = arith.cmpi ne, %add3A_69, %add3A_79 : i32
      %or3A_146 = arith.constant false
      %or3A_147 = arith.ori %or3A_146, %ne3A_145 : i1
      %or3A_148 = arith.constant false
      %or3A_149 = arith.ori %or3A_147, %or3A_148 : i1
      %or3A_150 = arith.ori %or3A_149, %eq3A_65 : i1
      %convert_element_type3A_151 = arith.extui %or3A_150 : i1 to i32
      %cond3A_152 = arith.constant 0 : i32
      %cond3A_153 = arith.cmpi ne, %convert_element_type3A_151, %cond3A_152 : i32
      scf.if %cond3A_153 {
      } else {
      }
      %rem3A_154 = arith.constant 2 : i32
      %rem3A_155 = arith.remui %scan3A, %rem3A_154 : i32
      %rem3A_156 = arith.constant 2 : i32
      %rem3A_157 = arith.remui %scan3A_58, %rem3A_156 : i32
      %rem3A_158 = arith.constant 2 : i32
      %rem3A_159 = arith.remui %scan3A_60, %rem3A_158 : i32
      %run_scoped3A_160 = arith.constant 0 : i32
      "tpu.trace_start"() <{level = 10 : i32, message = "ep_run_kernel"}> : () -> ()
      "tpu.region"() ({
        %run_scoped3A_333 = tpu.sem_alloc : memref<!tpu.dma_semaphore, #tpu.memory_space<semaphore_mem>>
        %dma_start3A_334 = arith.constant 0 : i32
        %dma_start3A_335 = arith.constant 0 : i32
        %dma_start3A_336 = tpu.memref_slice %run_scoped3A_2[%rem3A_157, %dma_start3A_334, %dma_start3A_335] : memref<2x128x128xf32, #tpu.memory_space<vmem>> -> memref<1x128x128xf32, #tpu.memory_space<vmem>>
        %dma_start3A_337 = tpu.memref_squeeze %dma_start3A_336 : memref<1x128x128xf32, #tpu.memory_space<vmem>> -> memref<128x128xf32, #tpu.memory_space<vmem>>
        %dma_start3A_338 = arith.constant 0 : i32
        %dma_start3A_339 = arith.constant 0 : i32
        %dma_start3A_340 = tpu.memref_slice %run_scoped3A[%rem3A_155, %dma_start3A_338, %dma_start3A_339] : memref<2x1x128xi32, #tpu.memory_space<vmem>> -> memref<1x1x128xi32, #tpu.memory_space<vmem>>
        %dma_start3A_341 = tpu.memref_squeeze %dma_start3A_340 : memref<1x1x128xi32, #tpu.memory_space<vmem>> -> memref<1x128xi32, #tpu.memory_space<vmem>>
        %dma_start3A_342 = arith.constant 0 : i32
        %dma_start3A_343 = tpu.memref_slice %dma_start3A_341[%run_scoped3A_160, %dma_start3A_342] : memref<1x128xi32, #tpu.memory_space<vmem>> -> memref<1x128xi32, #tpu.memory_space<vmem>>
        %dma_start3A_344 = tpu.memref_squeeze %dma_start3A_343 : memref<1x128xi32, #tpu.memory_space<vmem>> -> memref<128xi32, #tpu.memory_space<vmem>>
        %dma_start3A_345 = arith.constant 0 : i32
        %dma_start3A_346 = arith.constant 0 : i32
        %dma_start3A_347 = tpu.memref_slice %arg2[%dma_start3A_345, %dma_start3A_346] : memref<100000x128xf32, #tpu.memory_space<hbm>> -> memref<100000x128xf32, #tpu.memory_space<hbm>>
        tpu.enqueue_indirect_dma source(%dma_start3A_347 : memref<100000x128xf32, #tpu.memory_space<hbm>>) target(%dma_start3A_337 : memref<128x128xf32, #tpu.memory_space<vmem>>) offsets(%dma_start3A_344 : memref<128xi32, #tpu.memory_space<vmem>>) semaphore(%run_scoped3A_333 : memref<!tpu.dma_semaphore, #tpu.memory_space<semaphore_mem>>)
        %dma_wait3A_348 = arith.constant 0 : i32
        %dma_wait3A_349 = arith.constant 0 : i32
        %dma_wait3A_350 = tpu.memref_slice %run_scoped3A_2[%rem3A_157, %dma_wait3A_348, %dma_wait3A_349] : memref<2x128x128xf32, #tpu.memory_space<vmem>> -> memref<1x128x128xf32, #tpu.memory_space<vmem>>
        %dma_wait3A_351 = tpu.memref_squeeze %dma_wait3A_350 : memref<1x128x128xf32, #tpu.memory_space<vmem>> -> memref<128x128xf32, #tpu.memory_space<vmem>>
        %dma_wait3A_352 = arith.constant 0 : i32
        %dma_wait3A_353 = arith.constant 0 : i32
        %dma_wait3A_354 = tpu.memref_slice %run_scoped3A[%rem3A_155, %dma_wait3A_352, %dma_wait3A_353] : memref<2x1x128xi32, #tpu.memory_space<vmem>> -> memref<1x1x128xi32, #tpu.memory_space<vmem>>
        %dma_wait3A_355 = tpu.memref_squeeze %dma_wait3A_354 : memref<1x1x128xi32, #tpu.memory_space<vmem>> -> memref<1x128xi32, #tpu.memory_space<vmem>>
        %dma_wait3A_356 = arith.constant 0 : i32
        %dma_wait3A_357 = tpu.memref_slice %dma_wait3A_355[%run_scoped3A_160, %dma_wait3A_356] : memref<1x128xi32, #tpu.memory_space<vmem>> -> memref<1x128xi32, #tpu.memory_space<vmem>>
        %dma_wait3A_358 = tpu.memref_squeeze %dma_wait3A_357 : memref<1x128xi32, #tpu.memory_space<vmem>> -> memref<128xi32, #tpu.memory_space<vmem>>
        %dma_wait3A_359 = arith.constant 0 : i32
        %dma_wait3A_360 = arith.constant 0 : i32
        %dma_wait3A_361 = tpu.memref_slice %arg2[%dma_wait3A_359, %dma_wait3A_360] : memref<100000x128xf32, #tpu.memory_space<hbm>> -> memref<100000x128xf32, #tpu.memory_space<hbm>>
        tpu.wait_indirect_dma semaphore(%run_scoped3A_333 : memref<!tpu.dma_semaphore, #tpu.memory_space<semaphore_mem>>) src(%dma_wait3A_361 : memref<100000x128xf32, #tpu.memory_space<hbm>>) dst(%dma_wait3A_351 : memref<128x128xf32, #tpu.memory_space<vmem>>)
        tpu.yield
      }) : () -> ()
      %run_scoped3A_161 = arith.constant 0 : i32
      "tpu.region"() ({
        %run_scoped3A_333 = tpu.sem_alloc : memref<!tpu.dma_semaphore, #tpu.memory_space<semaphore_mem>>
        %dma_start3A_334 = arith.constant 0 : i32
        %dma_start3A_335 = arith.constant 0 : i32
        %dma_start3A_336 = tpu.memref_slice %run_scoped3A_4[%rem3A_159, %dma_start3A_334, %dma_start3A_335] : memref<2x128x128xf32, #tpu.memory_space<vmem>> -> memref<1x128x128xf32, #tpu.memory_space<vmem>>
        %dma_start3A_337 = tpu.memref_squeeze %dma_start3A_336 : memref<1x128x128xf32, #tpu.memory_space<vmem>> -> memref<128x128xf32, #tpu.memory_space<vmem>>
        %dma_start3A_338 = arith.constant 0 : i32
        %dma_start3A_339 = arith.constant 0 : i32
        %dma_start3A_340 = tpu.memref_slice %run_scoped3A[%rem3A_155, %dma_start3A_338, %dma_start3A_339] : memref<2x1x128xi32, #tpu.memory_space<vmem>> -> memref<1x1x128xi32, #tpu.memory_space<vmem>>
        %dma_start3A_341 = tpu.memref_squeeze %dma_start3A_340 : memref<1x1x128xi32, #tpu.memory_space<vmem>> -> memref<1x128xi32, #tpu.memory_space<vmem>>
        %dma_start3A_342 = arith.constant 0 : i32
        %dma_start3A_343 = tpu.memref_slice %dma_start3A_341[%run_scoped3A_161, %dma_start3A_342] : memref<1x128xi32, #tpu.memory_space<vmem>> -> memref<1x128xi32, #tpu.memory_space<vmem>>
        %dma_start3A_344 = tpu.memref_squeeze %dma_start3A_343 : memref<1x128xi32, #tpu.memory_space<vmem>> -> memref<128xi32, #tpu.memory_space<vmem>>
        %dma_start3A_345 = arith.constant 0 : i32
        %dma_start3A_346 = arith.constant 0 : i32
        %dma_start3A_347 = tpu.memref_slice %arg3[%dma_start3A_345, %dma_start3A_346] : memref<100000x128xf32, #tpu.memory_space<hbm>> -> memref<100000x128xf32, #tpu.memory_space<hbm>>
        tpu.enqueue_indirect_dma source(%dma_start3A_347 : memref<100000x128xf32, #tpu.memory_space<hbm>>) target(%dma_start3A_337 : memref<128x128xf32, #tpu.memory_space<vmem>>) offsets(%dma_start3A_344 : memref<128xi32, #tpu.memory_space<vmem>>) semaphore(%run_scoped3A_333 : memref<!tpu.dma_semaphore, #tpu.memory_space<semaphore_mem>>)
        %dma_wait3A_348 = arith.constant 0 : i32
        %dma_wait3A_349 = arith.constant 0 : i32
        %dma_wait3A_350 = tpu.memref_slice %run_scoped3A_4[%rem3A_159, %dma_wait3A_348, %dma_wait3A_349] : memref<2x128x128xf32, #tpu.memory_space<vmem>> -> memref<1x128x128xf32, #tpu.memory_space<vmem>>
        %dma_wait3A_351 = tpu.memref_squeeze %dma_wait3A_350 : memref<1x128x128xf32, #tpu.memory_space<vmem>> -> memref<128x128xf32, #tpu.memory_space<vmem>>
        %dma_wait3A_352 = arith.constant 0 : i32
        %dma_wait3A_353 = arith.constant 0 : i32
        %dma_wait3A_354 = tpu.memref_slice %run_scoped3A[%rem3A_155, %dma_wait3A_352, %dma_wait3A_353] : memref<2x1x128xi32, #tpu.memory_space<vmem>> -> memref<1x1x128xi32, #tpu.memory_space<vmem>>
        %dma_wait3A_355 = tpu.memref_squeeze %dma_wait3A_354 : memref<1x1x128xi32, #tpu.memory_space<vmem>> -> memref<1x128xi32, #tpu.memory_space<vmem>>
        %dma_wait3A_356 = arith.constant 0 : i32
        %dma_wait3A_357 = tpu.memref_slice %dma_wait3A_355[%run_scoped3A_161, %dma_wait3A_356] : memref<1x128xi32, #tpu.memory_space<vmem>> -> memref<1x128xi32, #tpu.memory_space<vmem>>
        %dma_wait3A_358 = tpu.memref_squeeze %dma_wait3A_357 : memref<1x128xi32, #tpu.memory_space<vmem>> -> memref<128xi32, #tpu.memory_space<vmem>>
        %dma_wait3A_359 = arith.constant 0 : i32
        %dma_wait3A_360 = arith.constant 0 : i32
        %dma_wait3A_361 = tpu.memref_slice %arg3[%dma_wait3A_359, %dma_wait3A_360] : memref<100000x128xf32, #tpu.memory_space<hbm>> -> memref<100000x128xf32, #tpu.memory_space<hbm>>
        tpu.wait_indirect_dma semaphore(%run_scoped3A_333 : memref<!tpu.dma_semaphore, #tpu.memory_space<semaphore_mem>>) src(%dma_wait3A_361 : memref<100000x128xf32, #tpu.memory_space<hbm>>) dst(%dma_wait3A_351 : memref<128x128xf32, #tpu.memory_space<vmem>>)
        tpu.yield
      }) : () -> ()
      "tpu.trace_stop"() : () -> ()
      %ne3A_162 = arith.cmpi ne, %add3A_69, %add3A_89 : i32
      %or3A_163 = arith.constant false
      %or3A_164 = arith.ori %or3A_163, %ne3A_162 : i1
      %or3A_165 = arith.ori %or3A_164, %eq3A_67 : i1
      %convert_element_type3A_166 = arith.extui %or3A_165 : i1 to i32
      %cond3A_167 = arith.constant 0 : i32
      %cond3A_168 = arith.cmpi ne, %convert_element_type3A_166, %cond3A_167 : i32
      scf.if %cond3A_168 {
      } else {
      }
      %and3A_169 = arith.constant false
      %and3A_170 = arith.andi %or3A_165, %and3A_169 : i1
      %ne3A_171 = arith.cmpi ne, %add3A_69, %add3A_89 : i32
      %or3A_172 = arith.constant false
      %or3A_173 = arith.ori %or3A_172, %ne3A_171 : i1
      %or3A_174 = arith.constant false
      %or3A_175 = arith.ori %or3A_173, %or3A_174 : i1
      %or3A_176 = arith.ori %or3A_175, %eq3A_67 : i1
      %convert_element_type3A_177 = arith.extui %or3A_176 : i1 to i32
      %cond3A_178 = arith.constant 0 : i32
      %cond3A_179 = arith.cmpi ne, %convert_element_type3A_177, %cond3A_178 : i32
      scf.if %cond3A_179 {
        "tpu.trace_start"() <{level = 10 : i32, message = "ep_copy_out"}> : () -> ()
        %rem3A_333 = arith.constant 2 : i32
        %rem3A_334 = arith.remui %scan3A_58, %rem3A_333 : i32
        %mul3A_335 = arith.constant 128 : i32
        %mul3A_336 = arith.muli %mul3A_335, %add3A_69 : i32
        %dma_start3A_337 = arith.constant 0 : i32
        %dma_start3A_338 = arith.constant 0 : i32
        %dma_start3A_339 = tpu.memref_slice %run_scoped3A_2[%rem3A_334, %dma_start3A_337, %dma_start3A_338] : memref<2x128x128xf32, #tpu.memory_space<vmem>> -> memref<1x128x128xf32, #tpu.memory_space<vmem>>
        %dma_start3A_340 = tpu.memref_squeeze %dma_start3A_339 : memref<1x128x128xf32, #tpu.memory_space<vmem>> -> memref<128x128xf32, #tpu.memory_space<vmem>>
        %dma_start3A_341 = arith.constant 0 : i32
        %dma_start3A_342 = tpu.memref_slice %arg5[%mul3A_336, %dma_start3A_341] : memref<2048x128xf32, #tpu.memory_space<hbm>> -> memref<128x128xf32, #tpu.memory_space<hbm>>
        %dma_start3A_343 = tpu.memref_slice %run_scoped3A_3[%rem3A_334] : memref<2x!tpu.dma_semaphore, #tpu.memory_space<semaphore_mem>> -> memref<1x!tpu.dma_semaphore, #tpu.memory_space<semaphore_mem>>
        %dma_start3A_344 = tpu.memref_squeeze %dma_start3A_343 : memref<1x!tpu.dma_semaphore, #tpu.memory_space<semaphore_mem>> -> memref<!tpu.dma_semaphore, #tpu.memory_space<semaphore_mem>>
        %dma_start3A_345 = arith.constant 0 : i32
        %dma_start3A_346 = tpu.memref_slice %arg5[%mul3A_336, %dma_start3A_345] : memref<2048x128xf32, #tpu.memory_space<hbm>> -> memref<128x128xf32, #tpu.memory_space<hbm>>
        %dma_start3A_347 = arith.constant 0 : i32
        %dma_start3A_348 = arith.constant 0 : i32
        %dma_start3A_349 = tpu.memref_slice %run_scoped3A_2[%rem3A_334, %dma_start3A_347, %dma_start3A_348] : memref<2x128x128xf32, #tpu.memory_space<vmem>> -> memref<1x128x128xf32, #tpu.memory_space<vmem>>
        %dma_start3A_350 = tpu.memref_squeeze %dma_start3A_349 : memref<1x128x128xf32, #tpu.memory_space<vmem>> -> memref<128x128xf32, #tpu.memory_space<vmem>>
        tpu.enqueue_dma source(%dma_start3A_350 : memref<128x128xf32, #tpu.memory_space<vmem>>) target(%dma_start3A_346 : memref<128x128xf32, #tpu.memory_space<hbm>>) target_semaphore(%dma_start3A_344 : memref<!tpu.dma_semaphore, #tpu.memory_space<semaphore_mem>>)
        "tpu.trace_stop"() : () -> ()
      } else {
      }
      %and3A_180 = arith.constant true
      %and3A_181 = arith.andi %or3A_176, %and3A_180 : i1
      %add3A_182 = arith.constant 1 : i32
      %add3A_183 = arith.addi %scan3A_58, %add3A_182 : i32
      %select_n3A_184 = arith.select %and3A_181, %add3A_183, %scan3A_58 : i32
      %ne3A_185 = arith.cmpi ne, %add3A_69, %add3A_89 : i32
      %or3A_186 = arith.constant false
      %or3A_187 = arith.ori %or3A_186, %ne3A_185 : i1
      %or3A_188 = arith.constant false
      %or3A_189 = arith.ori %or3A_187, %or3A_188 : i1
      %or3A_190 = arith.ori %or3A_189, %eq3A_67 : i1
      %convert_element_type3A_191 = arith.extui %or3A_190 : i1 to i32
      %cond3A_192 = arith.constant 0 : i32
      %cond3A_193 = arith.cmpi ne, %convert_element_type3A_191, %cond3A_192 : i32
      scf.if %cond3A_193 {
        "tpu.trace_start"() <{level = 10 : i32, message = "ep_copy_out"}> : () -> ()
        %rem3A_333 = arith.constant 2 : i32
        %rem3A_334 = arith.remui %scan3A_60, %rem3A_333 : i32
        %mul3A_335 = arith.constant 128 : i32
        %mul3A_336 = arith.muli %mul3A_335, %add3A_69 : i32
        %dma_start3A_337 = arith.constant 0 : i32
        %dma_start3A_338 = arith.constant 0 : i32
        %dma_start3A_339 = tpu.memref_slice %run_scoped3A_4[%rem3A_334, %dma_start3A_337, %dma_start3A_338] : memref<2x128x128xf32, #tpu.memory_space<vmem>> -> memref<1x128x128xf32, #tpu.memory_space<vmem>>
        %dma_start3A_340 = tpu.memref_squeeze %dma_start3A_339 : memref<1x128x128xf32, #tpu.memory_space<vmem>> -> memref<128x128xf32, #tpu.memory_space<vmem>>
        %dma_start3A_341 = arith.constant 0 : i32
        %dma_start3A_342 = tpu.memref_slice %arg6[%mul3A_336, %dma_start3A_341] : memref<2048x128xf32, #tpu.memory_space<hbm>> -> memref<128x128xf32, #tpu.memory_space<hbm>>
        %dma_start3A_343 = tpu.memref_slice %run_scoped3A_5[%rem3A_334] : memref<2x!tpu.dma_semaphore, #tpu.memory_space<semaphore_mem>> -> memref<1x!tpu.dma_semaphore, #tpu.memory_space<semaphore_mem>>
        %dma_start3A_344 = tpu.memref_squeeze %dma_start3A_343 : memref<1x!tpu.dma_semaphore, #tpu.memory_space<semaphore_mem>> -> memref<!tpu.dma_semaphore, #tpu.memory_space<semaphore_mem>>
        %dma_start3A_345 = arith.constant 0 : i32
        %dma_start3A_346 = tpu.memref_slice %arg6[%mul3A_336, %dma_start3A_345] : memref<2048x128xf32, #tpu.memory_space<hbm>> -> memref<128x128xf32, #tpu.memory_space<hbm>>
        %dma_start3A_347 = arith.constant 0 : i32
        %dma_start3A_348 = arith.constant 0 : i32
        %dma_start3A_349 = tpu.memref_slice %run_scoped3A_4[%rem3A_334, %dma_start3A_347, %dma_start3A_348] : memref<2x128x128xf32, #tpu.memory_space<vmem>> -> memref<1x128x128xf32, #tpu.memory_space<vmem>>
        %dma_start3A_350 = tpu.memref_squeeze %dma_start3A_349 : memref<1x128x128xf32, #tpu.memory_space<vmem>> -> memref<128x128xf32, #tpu.memory_space<vmem>>
        tpu.enqueue_dma source(%dma_start3A_350 : memref<128x128xf32, #tpu.memory_space<vmem>>) target(%dma_start3A_346 : memref<128x128xf32, #tpu.memory_space<hbm>>) target_semaphore(%dma_start3A_344 : memref<!tpu.dma_semaphore, #tpu.memory_space<semaphore_mem>>)
        "tpu.trace_stop"() : () -> ()
      } else {
      }
      %and3A_194 = arith.constant true
      %and3A_195 = arith.andi %or3A_190, %and3A_194 : i1
      %add3A_196 = arith.constant 1 : i32
      %add3A_197 = arith.addi %scan3A_60, %add3A_196 : i32
      %select_n3A_198 = arith.select %and3A_195, %add3A_197, %scan3A_60 : i32
      %ne3A_199 = arith.cmpi ne, %add3A_69, %add3A_79 : i32
      %or3A_200 = arith.constant false
      %or3A_201 = arith.ori %or3A_200, %ne3A_199 : i1
      %not3A_202 = arith.constant true
      %not3A_203 = arith.xori %eq3A_65, %not3A_202 : i1
      %and3A_204 = arith.andi %or3A_201, %not3A_203 : i1
      %convert_element_type3A_205 = arith.extui %and3A_204 : i1 to i32
      %cond3A_206 = arith.constant 0 : i32
      %cond3A_207 = arith.cmpi ne, %convert_element_type3A_205, %cond3A_206 : i32
      scf.if %cond3A_207 {
      } else {
      }
      %and3A_208 = arith.constant false
      %and3A_209 = arith.andi %and3A_204, %and3A_208 : i1
      %ne3A_210 = arith.cmpi ne, %add3A_69, %add3A_79 : i32
      %or3A_211 = arith.constant false
      %or3A_212 = arith.ori %or3A_211, %ne3A_210 : i1
      %or3A_213 = arith.constant false
      %or3A_214 = arith.ori %or3A_212, %or3A_213 : i1
      %not3A_215 = arith.constant true
      %not3A_216 = arith.xori %eq3A_65, %not3A_215 : i1
      %and3A_217 = arith.andi %or3A_214, %not3A_216 : i1
      %convert_element_type3A_218 = arith.extui %and3A_217 : i1 to i32
      %cond3A_219 = arith.constant 0 : i32
      %cond3A_220 = arith.cmpi ne, %convert_element_type3A_218, %cond3A_219 : i32
      scf.if %cond3A_220 {
        "tpu.trace_start"() <{level = 10 : i32, message = "ep_wait_out"}> : () -> ()
        %rem3A_333 = arith.constant 2 : i32
        %rem3A_334 = arith.remui %scan3A_59, %rem3A_333 : i32
        %mul3A_335 = arith.constant 128 : i32
        %mul3A_336 = arith.muli %mul3A_335, %add3A_79 : i32
        %dma_wait3A_337 = arith.constant 0 : i32
        %dma_wait3A_338 = arith.constant 0 : i32
        %dma_wait3A_339 = tpu.memref_slice %run_scoped3A_2[%rem3A_334, %dma_wait3A_337, %dma_wait3A_338] : memref<2x128x128xf32, #tpu.memory_space<vmem>> -> memref<1x128x128xf32, #tpu.memory_space<vmem>>
        %dma_wait3A_340 = tpu.memref_squeeze %dma_wait3A_339 : memref<1x128x128xf32, #tpu.memory_space<vmem>> -> memref<128x128xf32, #tpu.memory_space<vmem>>
        %dma_wait3A_341 = arith.constant 0 : i32
        %dma_wait3A_342 = tpu.memref_slice %arg5[%mul3A_336, %dma_wait3A_341] : memref<2048x128xf32, #tpu.memory_space<hbm>> -> memref<128x128xf32, #tpu.memory_space<hbm>>
        %dma_wait3A_343 = tpu.memref_slice %run_scoped3A_3[%rem3A_334] : memref<2x!tpu.dma_semaphore, #tpu.memory_space<semaphore_mem>> -> memref<1x!tpu.dma_semaphore, #tpu.memory_space<semaphore_mem>>
        %dma_wait3A_344 = tpu.memref_squeeze %dma_wait3A_343 : memref<1x!tpu.dma_semaphore, #tpu.memory_space<semaphore_mem>> -> memref<!tpu.dma_semaphore, #tpu.memory_space<semaphore_mem>>
        %dma_wait3A_345 = arith.constant 0 : i32
        %dma_wait3A_346 = tpu.memref_slice %arg5[%mul3A_336, %dma_wait3A_345] : memref<2048x128xf32, #tpu.memory_space<hbm>> -> memref<128x128xf32, #tpu.memory_space<hbm>>
        %dma_wait3A_347 = arith.constant 0 : i32
        %dma_wait3A_348 = arith.constant 0 : i32
        %dma_wait3A_349 = tpu.memref_slice %run_scoped3A_2[%rem3A_334, %dma_wait3A_347, %dma_wait3A_348] : memref<2x128x128xf32, #tpu.memory_space<vmem>> -> memref<1x128x128xf32, #tpu.memory_space<vmem>>
        %dma_wait3A_350 = tpu.memref_squeeze %dma_wait3A_349 : memref<1x128x128xf32, #tpu.memory_space<vmem>> -> memref<128x128xf32, #tpu.memory_space<vmem>>
        tpu.wait_dma2 semaphore(%dma_wait3A_344 : memref<!tpu.dma_semaphore, #tpu.memory_space<semaphore_mem>>) src(%dma_wait3A_350 : memref<128x128xf32, #tpu.memory_space<vmem>>) dst(%dma_wait3A_346 : memref<128x128xf32, #tpu.memory_space<hbm>>)
        "tpu.trace_stop"() : () -> ()
      } else {
      }
      %and3A_221 = arith.constant true
      %and3A_222 = arith.andi %and3A_217, %and3A_221 : i1
      %add3A_223 = arith.constant 1 : i32
      %add3A_224 = arith.addi %scan3A_59, %add3A_223 : i32
      %select_n3A_225 = arith.select %and3A_222, %add3A_224, %scan3A_59 : i32
      %ne3A_226 = arith.cmpi ne, %add3A_69, %add3A_79 : i32
      %or3A_227 = arith.constant false
      %or3A_228 = arith.ori %or3A_227, %ne3A_226 : i1
      %or3A_229 = arith.constant false
      %or3A_230 = arith.ori %or3A_228, %or3A_229 : i1
      %not3A_231 = arith.constant true
      %not3A_232 = arith.xori %eq3A_65, %not3A_231 : i1
      %and3A_233 = arith.andi %or3A_230, %not3A_232 : i1
      %convert_element_type3A_234 = arith.extui %and3A_233 : i1 to i32
      %cond3A_235 = arith.constant 0 : i32
      %cond3A_236 = arith.cmpi ne, %convert_element_type3A_234, %cond3A_235 : i32
      scf.if %cond3A_236 {
        "tpu.trace_start"() <{level = 10 : i32, message = "ep_wait_out"}> : () -> ()
        %rem3A_333 = arith.constant 2 : i32
        %rem3A_334 = arith.remui %scan3A_61, %rem3A_333 : i32
        %mul3A_335 = arith.constant 128 : i32
        %mul3A_336 = arith.muli %mul3A_335, %add3A_79 : i32
        %dma_wait3A_337 = arith.constant 0 : i32
        %dma_wait3A_338 = arith.constant 0 : i32
        %dma_wait3A_339 = tpu.memref_slice %run_scoped3A_4[%rem3A_334, %dma_wait3A_337, %dma_wait3A_338] : memref<2x128x128xf32, #tpu.memory_space<vmem>> -> memref<1x128x128xf32, #tpu.memory_space<vmem>>
        %dma_wait3A_340 = tpu.memref_squeeze %dma_wait3A_339 : memref<1x128x128xf32, #tpu.memory_space<vmem>> -> memref<128x128xf32, #tpu.memory_space<vmem>>
        %dma_wait3A_341 = arith.constant 0 : i32
        %dma_wait3A_342 = tpu.memref_slice %arg6[%mul3A_336, %dma_wait3A_341] : memref<2048x128xf32, #tpu.memory_space<hbm>> -> memref<128x128xf32, #tpu.memory_space<hbm>>
        %dma_wait3A_343 = tpu.memref_slice %run_scoped3A_5[%rem3A_334] : memref<2x!tpu.dma_semaphore, #tpu.memory_space<semaphore_mem>> -> memref<1x!tpu.dma_semaphore, #tpu.memory_space<semaphore_mem>>
        %dma_wait3A_344 = tpu.memref_squeeze %dma_wait3A_343 : memref<1x!tpu.dma_semaphore, #tpu.memory_space<semaphore_mem>> -> memref<!tpu.dma_semaphore, #tpu.memory_space<semaphore_mem>>
        %dma_wait3A_345 = arith.constant 0 : i32
        %dma_wait3A_346 = tpu.memref_slice %arg6[%mul3A_336, %dma_wait3A_345] : memref<2048x128xf32, #tpu.memory_space<hbm>> -> memref<128x128xf32, #tpu.memory_space<hbm>>
        %dma_wait3A_347 = arith.constant 0 : i32
        %dma_wait3A_348 = arith.constant 0 : i32
        %dma_wait3A_349 = tpu.memref_slice %run_scoped3A_4[%rem3A_334, %dma_wait3A_347, %dma_wait3A_348] : memref<2x128x128xf32, #tpu.memory_space<vmem>> -> memref<1x128x128xf32, #tpu.memory_space<vmem>>
        %dma_wait3A_350 = tpu.memref_squeeze %dma_wait3A_349 : memref<1x128x128xf32, #tpu.memory_space<vmem>> -> memref<128x128xf32, #tpu.memory_space<vmem>>
        tpu.wait_dma2 semaphore(%dma_wait3A_344 : memref<!tpu.dma_semaphore, #tpu.memory_space<semaphore_mem>>) src(%dma_wait3A_350 : memref<128x128xf32, #tpu.memory_space<vmem>>) dst(%dma_wait3A_346 : memref<128x128xf32, #tpu.memory_space<hbm>>)
        "tpu.trace_stop"() : () -> ()
      } else {
      }
      %and3A_237 = arith.constant true
      %and3A_238 = arith.andi %and3A_233, %and3A_237 : i1
      %add3A_239 = arith.constant 1 : i32
      %add3A_240 = arith.addi %scan3A_61, %add3A_239 : i32
      %select_n3A_241 = arith.select %and3A_238, %add3A_240, %scan3A_61 : i32
      %ne3A_242 = arith.cmpi ne, %add3A_69, %add3A_89 : i32
      %or3A_243 = arith.constant false
      %or3A_244 = arith.ori %or3A_243, %ne3A_242 : i1
      %or3A_245 = arith.ori %or3A_244, %eq3A_67 : i1
      %add3A_246 = arith.constant 1 : i32
      %add3A_247 = arith.addi %scan3A, %add3A_246 : i32
      %select_n3A_248 = arith.select %or3A_245, %add3A_247, %scan3A : i32
      %select_n3A_249 = arith.constant true
      %select_n3A_250 = arith.constant 0 : i32
      %select_n3A_251 = arith.constant 1 : i32
      %select_n3A_252 = arith.select %select_n3A_249, %select_n3A_251, %select_n3A_250 : i32
      %eq3A_253 = arith.constant 1 : i32
      %eq3A_254 = arith.cmpi eq, %select_n3A_252, %eq3A_253 : i32
      %select_n3A_255 = arith.constant 0 : i32
      %select_n3A_256 = arith.select %eq3A_254, %select_n3A_255, %select_n3A_252 : i32
      %scan3A_257 = arith.constant 0 : i32
      %scan3A_258 = arith.constant 1 : i32
      %sub3A = arith.constant 1 : i32
      %sub3A_259 = arith.subi %scan3A_257, %sub3A : i32
      %select_n3A_260 = arith.constant true
      %select_n3A_261 = arith.select %select_n3A_260, %sub3A_259, %scan3A_257 : i32
      %eq3A_262 = arith.constant -1 : i32
      %eq3A_263 = arith.cmpi eq, %select_n3A_261, %eq3A_262 : i32
      %select_n3A_264 = arith.constant 0 : i32
      %select_n3A_265 = arith.select %eq3A_263, %select_n3A_264, %select_n3A_261 : i32
      %add3A_266 = arith.constant 0 : i32
      %add3A_267 = arith.addi %add3A_266, %mul3A_0 : i32
      %select_n3A_268 = arith.constant true
      %select_n3A_269 = arith.constant 0 : i32
      %select_n3A_270 = arith.constant -1 : i32
      %select_n3A_271 = arith.select %select_n3A_268, %select_n3A_270, %select_n3A_269 : i32
      %eq3A_272 = arith.constant -1 : i32
      %eq3A_273 = arith.cmpi eq, %select_n3A_271, %eq3A_272 : i32
      %select_n3A_274 = arith.constant 0 : i32
      %select_n3A_275 = arith.select %eq3A_273, %select_n3A_274, %select_n3A_271 : i32
      %add3A_276 = arith.constant 0 : i32
      %add3A_277 = arith.addi %add3A_276, %mul3A_0 : i32
      %select_n3A_278 = arith.constant true
      %select_n3A_279 = arith.constant 0 : i32
      %select_n3A_280 = arith.constant 1 : i32
      %select_n3A_281 = arith.select %select_n3A_278, %select_n3A_280, %select_n3A_279 : i32
      %eq3A_282 = arith.constant 1 : i32
      %eq3A_283 = arith.cmpi eq, %select_n3A_281, %eq3A_282 : i32
      %select_n3A_284 = arith.constant 0 : i32
      %select_n3A_285 = arith.select %eq3A_283, %select_n3A_284, %select_n3A_281 : i32
      %add3A_286 = arith.constant 0 : i32
      %add3A_287 = arith.addi %add3A_286, %mul3A_0 : i32
      %select_n3A_288 = arith.constant true
      %select_n3A_289 = arith.constant 0 : i32
      %select_n3A_290 = arith.constant 1 : i32
      %select_n3A_291 = arith.select %select_n3A_288, %select_n3A_290, %select_n3A_289 : i32
      %eq3A_292 = arith.constant 1 : i32
      %eq3A_293 = arith.cmpi eq, %select_n3A_291, %eq3A_292 : i32
      %select_n3A_294 = arith.constant 0 : i32
      %select_n3A_295 = arith.select %eq3A_293, %select_n3A_294, %select_n3A_291 : i32
      %add3A_296 = arith.constant 0 : i32
      %add3A_297 = arith.addi %add3A_296, %mul3A_0 : i32
      "tpu.trace_start"() <{level = 10 : i32, message = "ep_finalize"}> : () -> ()
      %rem3A_298 = arith.constant 2 : i32
      %rem3A_299 = arith.remui %select_n3A_225, %rem3A_298 : i32
      %mul3A_300 = arith.constant 128 : i32
      %mul3A_301 = arith.muli %mul3A_300, %add3A_267 : i32
      %dma_wait3A = arith.constant 0 : i32
      %dma_wait3A_302 = arith.constant 0 : i32
      %dma_wait3A_303 = tpu.memref_slice %run_scoped3A_2[%rem3A_299, %dma_wait3A, %dma_wait3A_302] : memref<2x128x128xf32, #tpu.memory_space<vmem>> -> memref<1x128x128xf32, #tpu.memory_space<vmem>>
      %dma_wait3A_304 = tpu.memref_squeeze %dma_wait3A_303 : memref<1x128x128xf32, #tpu.memory_space<vmem>> -> memref<128x128xf32, #tpu.memory_space<vmem>>
      %dma_wait3A_305 = arith.constant 0 : i32
      %dma_wait3A_306 = tpu.memref_slice %arg5[%mul3A_301, %dma_wait3A_305] : memref<2048x128xf32, #tpu.memory_space<hbm>> -> memref<128x128xf32, #tpu.memory_space<hbm>>
      %dma_wait3A_307 = tpu.memref_slice %run_scoped3A_3[%rem3A_299] : memref<2x!tpu.dma_semaphore, #tpu.memory_space<semaphore_mem>> -> memref<1x!tpu.dma_semaphore, #tpu.memory_space<semaphore_mem>>
      %dma_wait3A_308 = tpu.memref_squeeze %dma_wait3A_307 : memref<1x!tpu.dma_semaphore, #tpu.memory_space<semaphore_mem>> -> memref<!tpu.dma_semaphore, #tpu.memory_space<semaphore_mem>>
      %dma_wait3A_309 = arith.constant 0 : i32
      %dma_wait3A_310 = tpu.memref_slice %arg5[%mul3A_301, %dma_wait3A_309] : memref<2048x128xf32, #tpu.memory_space<hbm>> -> memref<128x128xf32, #tpu.memory_space<hbm>>
      %dma_wait3A_311 = arith.constant 0 : i32
      %dma_wait3A_312 = arith.constant 0 : i32
      %dma_wait3A_313 = tpu.memref_slice %run_scoped3A_2[%rem3A_299, %dma_wait3A_311, %dma_wait3A_312] : memref<2x128x128xf32, #tpu.memory_space<vmem>> -> memref<1x128x128xf32, #tpu.memory_space<vmem>>
      %dma_wait3A_314 = tpu.memref_squeeze %dma_wait3A_313 : memref<1x128x128xf32, #tpu.memory_space<vmem>> -> memref<128x128xf32, #tpu.memory_space<vmem>>
      tpu.wait_dma2 semaphore(%dma_wait3A_308 : memref<!tpu.dma_semaphore, #tpu.memory_space<semaphore_mem>>) src(%dma_wait3A_314 : memref<128x128xf32, #tpu.memory_space<vmem>>) dst(%dma_wait3A_310 : memref<128x128xf32, #tpu.memory_space<hbm>>)
      %rem3A_315 = arith.constant 2 : i32
      %rem3A_316 = arith.remui %select_n3A_241, %rem3A_315 : i32
      %mul3A_317 = arith.constant 128 : i32
      %mul3A_318 = arith.muli %mul3A_317, %add3A_267 : i32
      %dma_wait3A_319 = arith.constant 0 : i32
      %dma_wait3A_320 = arith.constant 0 : i32
      %dma_wait3A_321 = tpu.memref_slice %run_scoped3A_4[%rem3A_316, %dma_wait3A_319, %dma_wait3A_320] : memref<2x128x128xf32, #tpu.memory_space<vmem>> -> memref<1x128x128xf32, #tpu.memory_space<vmem>>
      %dma_wait3A_322 = tpu.memref_squeeze %dma_wait3A_321 : memref<1x128x128xf32, #tpu.memory_space<vmem>> -> memref<128x128xf32, #tpu.memory_space<vmem>>
      %dma_wait3A_323 = arith.constant 0 : i32
      %dma_wait3A_324 = tpu.memref_slice %arg6[%mul3A_318, %dma_wait3A_323] : memref<2048x128xf32, #tpu.memory_space<hbm>> -> memref<128x128xf32, #tpu.memory_space<hbm>>
      %dma_wait3A_325 = tpu.memref_slice %run_scoped3A_5[%rem3A_316] : memref<2x!tpu.dma_semaphore, #tpu.memory_space<semaphore_mem>> -> memref<1x!tpu.dma_semaphore, #tpu.memory_space<semaphore_mem>>
      %dma_wait3A_326 = tpu.memref_squeeze %dma_wait3A_325 : memref<1x!tpu.dma_semaphore, #tpu.memory_space<semaphore_mem>> -> memref<!tpu.dma_semaphore, #tpu.memory_space<semaphore_mem>>
      %dma_wait3A_327 = arith.constant 0 : i32
      %dma_wait3A_328 = tpu.memref_slice %arg6[%mul3A_318, %dma_wait3A_327] : memref<2048x128xf32, #tpu.memory_space<hbm>> -> memref<128x128xf32, #tpu.memory_space<hbm>>
      %dma_wait3A_329 = arith.constant 0 : i32
      %dma_wait3A_330 = arith.constant 0 : i32
      %dma_wait3A_331 = tpu.memref_slice %run_scoped3A_4[%rem3A_316, %dma_wait3A_329, %dma_wait3A_330] : memref<2x128x128xf32, #tpu.memory_space<vmem>> -> memref<1x128x128xf32, #tpu.memory_space<vmem>>
      %dma_wait3A_332 = tpu.memref_squeeze %dma_wait3A_331 : memref<1x128x128xf32, #tpu.memory_space<vmem>> -> memref<128x128xf32, #tpu.memory_space<vmem>>
      tpu.wait_dma2 semaphore(%dma_wait3A_326 : memref<!tpu.dma_semaphore, #tpu.memory_space<semaphore_mem>>) src(%dma_wait3A_332 : memref<128x128xf32, #tpu.memory_space<vmem>>) dst(%dma_wait3A_328 : memref<128x128xf32, #tpu.memory_space<hbm>>)
      "tpu.trace_stop"() : () -> ()
      tpu.yield
    }) : () -> ()
    return
  }
}

module attributes {stable_mosaic.version = 14 : i64} {
  func.func @_topk_body(%arg0: i32, %arg1: memref<2048x1024xf32, #tpu.memory_space<vmem>>, %arg2: memref<32x1024xf32, #tpu.memory_space<vmem>>, %arg3: memref<128x32xf32, #tpu.memory_space<vmem>>, %arg4: memref<5000x128xf32, #tpu.memory_space<vmem>>, %arg5: memref<2048x128xf32, #tpu.memory_space<vmem>>, %arg6: memref<2x1024xi32, #tpu.memory_space<vmem>>, %arg7: memref<128x1024xf32, #tpu.memory_space<vmem>>, %arg8: memref<1x1024xf32, #tpu.memory_space<vmem>>, %arg9: memref<1x1024xf32, #tpu.memory_space<vmem>>, %arg10: memref<1x1024xi32, #tpu.memory_space<vmem>>, %arg11: memref<1x1024xi32, #tpu.memory_space<vmem>>) attributes {dimension_semantics = [#tpu.dimension_semantics<arbitrary>], iteration_bounds = array<i64: 20>, scalar_prefetch = 0 : i64, scratch_operands = 5 : i64, tpu.core_type = #tpu.core_type<tc>, window_params = [{pipeline_mode = #tpu.pipeline_mode<synchronous>, transform_indices = @transform_0, window_bounds = array<i64: 2048, 1024>}, {pipeline_mode = #tpu.pipeline_mode<synchronous>, transform_indices = @transform_1, window_bounds = array<i64: 32, 1024>}, {pipeline_mode = #tpu.pipeline_mode<synchronous>, transform_indices = @transform_2, window_bounds = array<i64: 128, 32>}, {transform_indices = @transform_3, window_bounds = array<i64: 5000, 128>}, {pipeline_mode = #tpu.pipeline_mode<synchronous>, transform_indices = @transform_4, window_bounds = array<i64: 2048, 128>}, {pipeline_mode = #tpu.pipeline_mode<synchronous>, transform_indices = @transform_5, window_bounds = array<i64: 2, 1024>}]} {
    %eq3A = arith.constant 0 : i32
    %eq3A_0 = arith.cmpi eq, %arg0, %eq3A : i32
    %convert_element_type3A = arith.extui %eq3A_0 : i1 to i32
    %cond3A = arith.constant 0 : i32
    %cond3A_1 = arith.cmpi ne, %convert_element_type3A, %cond3A : i32
    scf.if %cond3A_1 {
      %get3A_717 = arith.constant 0 : index
      %get3A_718 = arith.constant 0 : index
      %get3A_719 = vector.load %arg1[%get3A_717, %get3A_718] : memref<2048x1024xf32, #tpu.memory_space<vmem>>, vector<2048x1024xf32>
      %get3A_720 = arith.constant 0 : index
      %get3A_721 = arith.constant 0 : index
      %get3A_722 = vector.load %arg2[%get3A_720, %get3A_721] : memref<32x1024xf32, #tpu.memory_space<vmem>>, vector<32x1024xf32>
      %dot_general3A_723 = arith.constant dense<0.000000e+00> : vector<2048x32xf32>
      %dot_general3A_724 = tpu.matmul %get3A_719, %get3A_722, %dot_general3A_723 {dimension_numbers = #tpu.dot_dimension_numbers<[1], [1], [0], [0], [0, 0, 1, 0], [], []>, transpose_lhs_hint = false} : vector<2048x1024xf32>, vector<32x1024xf32>, vector<2048x32xf32> -> vector<2048x32xf32>
      %get3A_725 = arith.constant 0 : index
      %get3A_726 = arith.constant 0 : index
      %get3A_727 = vector.load %arg3[%get3A_725, %get3A_726] : memref<128x32xf32, #tpu.memory_space<vmem>>, vector<128x32xf32>
      %dot_general3A_728 = arith.constant dense<0.000000e+00> : vector<2048x128xf32>
      %dot_general3A_729 = tpu.matmul %dot_general3A_724, %get3A_727, %dot_general3A_728 {dimension_numbers = #tpu.dot_dimension_numbers<[1], [1], [0], [0], [0, 0, 1, 0], [], []>, transpose_lhs_hint = false} : vector<2048x32xf32>, vector<128x32xf32>, vector<2048x128xf32> -> vector<2048x128xf32>
      %swap3A_730 = arith.constant 0 : index
      %swap3A_731 = arith.constant 0 : index
      %swap3A_732 = vector.load %arg5[%swap3A_730, %swap3A_731] : memref<2048x128xf32, #tpu.memory_space<vmem>>, vector<2048x128xf32>
      tpu.vector_store %arg5[%swap3A_730, %swap3A_731], %dot_general3A_729 {strides = array<i32>} : memref<2048x128xf32, #tpu.memory_space<vmem>>, vector<2048x128xf32>,
      %slice3A_733 = vector.extract_strided_slice %dot_general3A_729 {offsets = [0, 0], sizes = [1024, 128], strides = [1, 1]} : vector<2048x128xf32> to vector<1024x128xf32>
      %transpose3A = tpu.transpose %slice3A_733, [1, 0] : vector<1024x128xf32> -> vector<128x1024xf32>
      %swap3A_734 = arith.constant 0 : index
      %swap3A_735 = arith.constant 0 : index
      %swap3A_736 = vector.load %arg7[%swap3A_734, %swap3A_735] : memref<128x1024xf32, #tpu.memory_space<vmem>>, vector<128x1024xf32>
      tpu.vector_store %arg7[%swap3A_734, %swap3A_735], %transpose3A {strides = array<i32>} : memref<128x1024xf32, #tpu.memory_space<vmem>>, vector<128x1024xf32>,
      %broadcast_in_dim3A_737 = arith.constant 0xFF800000 : f32
      %broadcast_in_dim3A_738 = vector.broadcast %broadcast_in_dim3A_737 : f32 to vector<1x1024xf32>
      %swap3A_739 = arith.constant 0 : index
      %swap3A_740 = arith.constant 0 : index
      %swap3A_741 = vector.load %arg8[%swap3A_739, %swap3A_740] : memref<1x1024xf32, #tpu.memory_space<vmem>>, vector<1x1024xf32>
      tpu.vector_store %arg8[%swap3A_739, %swap3A_740], %broadcast_in_dim3A_738 {strides = array<i32>} : memref<1x1024xf32, #tpu.memory_space<vmem>>, vector<1x1024xf32>,
      %broadcast_in_dim3A_742 = arith.constant 0xFF800000 : f32
      %broadcast_in_dim3A_743 = vector.broadcast %broadcast_in_dim3A_742 : f32 to vector<1x1024xf32>
      %swap3A_744 = arith.constant 0 : index
      %swap3A_745 = arith.constant 0 : index
      %swap3A_746 = vector.load %arg9[%swap3A_744, %swap3A_745] : memref<1x1024xf32, #tpu.memory_space<vmem>>, vector<1x1024xf32>
      tpu.vector_store %arg9[%swap3A_744, %swap3A_745], %broadcast_in_dim3A_743 {strides = array<i32>} : memref<1x1024xf32, #tpu.memory_space<vmem>>, vector<1x1024xf32>,
      %broadcast_in_dim3A_747 = arith.constant 0 : i32
      %broadcast_in_dim3A_748 = vector.broadcast %broadcast_in_dim3A_747 : i32 to vector<1x1024xi32>
      %swap3A_749 = arith.constant 0 : index
      %swap3A_750 = arith.constant 0 : index
      %swap3A_751 = vector.load %arg10[%swap3A_749, %swap3A_750] : memref<1x1024xi32, #tpu.memory_space<vmem>>, vector<1x1024xi32>
      tpu.vector_store %arg10[%swap3A_749, %swap3A_750], %broadcast_in_dim3A_748 {strides = array<i32>} : memref<1x1024xi32, #tpu.memory_space<vmem>>, vector<1x1024xi32>,
      %broadcast_in_dim3A_752 = arith.constant 0 : i32
      %broadcast_in_dim3A_753 = vector.broadcast %broadcast_in_dim3A_752 : i32 to vector<1x1024xi32>
      %swap3A_754 = arith.constant 0 : index
      %swap3A_755 = arith.constant 0 : index
      %swap3A_756 = vector.load %arg11[%swap3A_754, %swap3A_755] : memref<1x1024xi32, #tpu.memory_space<vmem>>, vector<1x1024xi32>
      tpu.vector_store %arg11[%swap3A_754, %swap3A_755], %broadcast_in_dim3A_753 {strides = array<i32>} : memref<1x1024xi32, #tpu.memory_space<vmem>>, vector<1x1024xi32>,
    } else {
    }
    %get3A = arith.constant 0 : index
    %get3A_2 = arith.constant 0 : index
    %get3A_3 = vector.load %arg4[%get3A, %get3A_2] : memref<5000x128xf32, #tpu.memory_space<vmem>>, vector<1000x128xf32>
    %get3A_4 = arith.constant 0 : index
    %get3A_5 = arith.constant 0 : index
    %get3A_6 = vector.load %arg7[%get3A_4, %get3A_5] : memref<128x1024xf32, #tpu.memory_space<vmem>>, vector<128x1024xf32>
    %dot_general3A = arith.constant dense<0.000000e+00> : vector<1000x1024xf32>
    %dot_general3A_7 = tpu.matmul %get3A_3, %get3A_6, %dot_general3A {dimension_numbers = #tpu.dot_dimension_numbers<[1], [0], [0], [1], [0, 0, 1, 1], [], []>, transpose_lhs_hint = false} : vector<1000x128xf32>, vector<128x1024xf32>, vector<1000x1024xf32> -> vector<1000x1024xf32>
    %get3A_8 = arith.constant 1000 : index
    %get3A_9 = arith.constant 0 : index
    %get3A_10 = vector.load %arg4[%get3A_8, %get3A_9] : memref<5000x128xf32, #tpu.memory_space<vmem>>, vector<1000x128xf32>
    %get3A_11 = arith.constant 0 : index
    %get3A_12 = arith.constant 0 : index
    %get3A_13 = vector.load %arg7[%get3A_11, %get3A_12] : memref<128x1024xf32, #tpu.memory_space<vmem>>, vector<128x1024xf32>
    %dot_general3A_14 = arith.constant dense<0.000000e+00> : vector<1000x1024xf32>
    %dot_general3A_15 = tpu.matmul %get3A_10, %get3A_13, %dot_general3A_14 {dimension_numbers = #tpu.dot_dimension_numbers<[1], [0], [0], [1], [0, 0, 1, 1], [], []>, transpose_lhs_hint = false} : vector<1000x128xf32>, vector<128x1024xf32>, vector<1000x1024xf32> -> vector<1000x1024xf32>
    %get3A_16 = arith.constant 2000 : index
    %get3A_17 = arith.constant 0 : index
    %get3A_18 = vector.load %arg4[%get3A_16, %get3A_17] : memref<5000x128xf32, #tpu.memory_space<vmem>>, vector<1000x128xf32>
    %get3A_19 = arith.constant 0 : index
    %get3A_20 = arith.constant 0 : index
    %get3A_21 = vector.load %arg7[%get3A_19, %get3A_20] : memref<128x1024xf32, #tpu.memory_space<vmem>>, vector<128x1024xf32>
    %dot_general3A_22 = arith.constant dense<0.000000e+00> : vector<1000x1024xf32>
    %dot_general3A_23 = tpu.matmul %get3A_18, %get3A_21, %dot_general3A_22 {dimension_numbers = #tpu.dot_dimension_numbers<[1], [0], [0], [1], [0, 0, 1, 1], [], []>, transpose_lhs_hint = false} : vector<1000x128xf32>, vector<128x1024xf32>, vector<1000x1024xf32> -> vector<1000x1024xf32>
    %get3A_24 = arith.constant 3000 : index
    %get3A_25 = arith.constant 0 : index
    %get3A_26 = vector.load %arg4[%get3A_24, %get3A_25] : memref<5000x128xf32, #tpu.memory_space<vmem>>, vector<1000x128xf32>
    %get3A_27 = arith.constant 0 : index
    %get3A_28 = arith.constant 0 : index
    %get3A_29 = vector.load %arg7[%get3A_27, %get3A_28] : memref<128x1024xf32, #tpu.memory_space<vmem>>, vector<128x1024xf32>
    %dot_general3A_30 = arith.constant dense<0.000000e+00> : vector<1000x1024xf32>
    %dot_general3A_31 = tpu.matmul %get3A_26, %get3A_29, %dot_general3A_30 {dimension_numbers = #tpu.dot_dimension_numbers<[1], [0], [0], [1], [0, 0, 1, 1], [], []>, transpose_lhs_hint = false} : vector<1000x128xf32>, vector<128x1024xf32>, vector<1000x1024xf32> -> vector<1000x1024xf32>
    %get3A_32 = arith.constant 4000 : index
    %get3A_33 = arith.constant 0 : index
    %get3A_34 = vector.load %arg4[%get3A_32, %get3A_33] : memref<5000x128xf32, #tpu.memory_space<vmem>>, vector<1000x128xf32>
    %get3A_35 = arith.constant 0 : index
    %get3A_36 = arith.constant 0 : index
    %get3A_37 = vector.load %arg7[%get3A_35, %get3A_36] : memref<128x1024xf32, #tpu.memory_space<vmem>>, vector<128x1024xf32>
    %dot_general3A_38 = arith.constant dense<0.000000e+00> : vector<1000x1024xf32>
    %dot_general3A_39 = tpu.matmul %get3A_34, %get3A_37, %dot_general3A_38 {dimension_numbers = #tpu.dot_dimension_numbers<[1], [0], [0], [1], [0, 0, 1, 1], [], []>, transpose_lhs_hint = false} : vector<1000x128xf32>, vector<128x1024xf32>, vector<1000x1024xf32> -> vector<1000x1024xf32>
    %mul3A = arith.constant 5000 : i32
    %mul3A_40 = arith.muli %arg0, %mul3A : i32
    %add3A = arith.constant 0 : i32
    %add3A_41 = arith.addi %mul3A_40, %add3A : i32
    %mul3A_42 = arith.constant 5000 : i32
    %mul3A_43 = arith.muli %arg0, %mul3A_42 : i32
    %add3A_44 = arith.constant 1000 : i32
    %add3A_45 = arith.addi %mul3A_43, %add3A_44 : i32
    %mul3A_46 = arith.constant 5000 : i32
    %mul3A_47 = arith.muli %arg0, %mul3A_46 : i32
    %add3A_48 = arith.constant 2000 : i32
    %add3A_49 = arith.addi %mul3A_47, %add3A_48 : i32
    %mul3A_50 = arith.constant 5000 : i32
    %mul3A_51 = arith.muli %arg0, %mul3A_50 : i32
    %add3A_52 = arith.constant 3000 : i32
    %add3A_53 = arith.addi %mul3A_51, %add3A_52 : i32
    %mul3A_54 = arith.constant 5000 : i32
    %mul3A_55 = arith.muli %arg0, %mul3A_54 : i32
    %add3A_56 = arith.constant 4000 : i32
    %add3A_57 = arith.addi %mul3A_55, %add3A_56 : i32
    %reduce_max3A = arith.constant dense<0xFF800000> : vector<1024xf32>
    %reduce_max3A_58 = vector.multi_reduction <maximumf>, %dot_general3A_7, %reduce_max3A [0] : vector<1000x1024xf32> to vector<1024xf32>
    %broadcast_in_dim3A = vector.shape_cast %reduce_max3A_58 : vector<1024xf32> to vector<1x1024xf32>
    %eq3A_59 = vector.broadcast %broadcast_in_dim3A : vector<1x1024xf32> to vector<1000x1024xf32>
    %eq3A_60 = arith.cmpf oeq, %dot_general3A_7, %eq3A_59 : vector<1000x1024xf32>
    %jit3A = arith.constant 0xFF800000 : f32
    %broadcast_in_dim3A_61 = vector.broadcast %jit3A : f32 to vector<1000x1024xf32>
    %select_n3A = arith.select %eq3A_60, %broadcast_in_dim3A_61, %dot_general3A_7 : vector<1000x1024xi1>, vector<1000x1024xf32>
    %reduce_max3A_62 = arith.constant dense<0xFF800000> : vector<1024xf32>
    %reduce_max3A_63 = vector.multi_reduction <maximumf>, %select_n3A, %reduce_max3A_62 [0] : vector<1000x1024xf32> to vector<1024xf32>
    %broadcast_in_dim3A_64 = vector.shape_cast %reduce_max3A_63 : vector<1024xf32> to vector<1x1024xf32>
    %eq3A_65 = vector.broadcast %broadcast_in_dim3A_64 : vector<1x1024xf32> to vector<1000x1024xf32>
    %eq3A_66 = arith.cmpf oeq, %dot_general3A_7, %eq3A_65 : vector<1000x1024xf32>
    %iota3A = tpu.iota {dimensions = array<i32: 1>} : vector<2x1000xi32>
    %jit3A_67 = arith.constant 256 : i32
    %div3A = vector.broadcast %jit3A_67 : i32 to vector<2x1000xi32>
    %div3A_68 = arith.divsi %iota3A, %div3A : vector<2x1000xi32>
    %sign3A = arith.constant 0 : i32
    %sign3A_69 = vector.broadcast %sign3A : i32 to vector<2x1000xi32>
    %sign3A_70 = arith.cmpi sgt, %iota3A, %sign3A_69 : vector<2x1000xi32>
    %sign3A_71 = arith.extui %sign3A_70 : vector<2x1000xi1> to vector<2x1000xi32>
    %sign3A_72 = arith.constant 0 : i32
    %sign3A_73 = vector.broadcast %sign3A_72 : i32 to vector<2x1000xi32>
    %sign3A_74 = arith.cmpi slt, %iota3A, %sign3A_73 : vector<2x1000xi32>
    %sign3A_75 = arith.extui %sign3A_74 : vector<2x1000xi1> to vector<2x1000xi32>
    %sign3A_76 = arith.subi %sign3A_71, %sign3A_75 : vector<2x1000xi32>
    %sign3A_77 = arith.constant 0 : i32
    %sign3A_78 = arith.cmpi sgt, %jit3A_67, %sign3A_77 : i32
    %sign3A_79 = arith.extui %sign3A_78 : i1 to i32
    %sign3A_80 = arith.constant 0 : i32
    %sign3A_81 = arith.cmpi slt, %jit3A_67, %sign3A_80 : i32
    %sign3A_82 = arith.extui %sign3A_81 : i1 to i32
    %sign3A_83 = arith.subi %sign3A_79, %sign3A_82 : i32
    %ne3A = vector.broadcast %sign3A_83 : i32 to vector<2x1000xi32>
    %ne3A_84 = arith.cmpi ne, %sign3A_76, %ne3A : vector<2x1000xi32>
    %rem3A = vector.broadcast %jit3A_67 : i32 to vector<2x1000xi32>
    %rem3A_85 = arith.remsi %iota3A, %rem3A : vector<2x1000xi32>
    %ne3A_86 = arith.constant 0 : i32
    %ne3A_87 = vector.broadcast %ne3A_86 : i32 to vector<2x1000xi32>
    %ne3A_88 = arith.cmpi ne, %rem3A_85, %ne3A_87 : vector<2x1000xi32>
    %and3A = arith.andi %ne3A_84, %ne3A_88 : vector<2x1000xi1>
    %sub3A = arith.constant 1 : i32
    %sub3A_89 = vector.broadcast %sub3A : i32 to vector<2x1000xi32>
    %sub3A_90 = arith.subi %div3A_68, %sub3A_89 : vector<2x1000xi32>
    %select_n3A_91 = arith.select %and3A, %sub3A_90, %div3A_68 : vector<2x1000xi1>, vector<2x1000xi32>
    %convert_element_type3A_92 = arith.sitofp %select_n3A_91 : vector<2x1000xi32> to vector<2x1000xbf16>
    %jit3A_93 = arith.constant 256 : i32
    %eq3A_94 = arith.constant 0 : i32
    %eq3A_95 = arith.cmpi eq, %jit3A_93, %eq3A_94 : i32
    %jit3A_96 = arith.constant 1 : i32
    %select_n3A_97 = arith.select %eq3A_95, %jit3A_96, %jit3A_93 : i32
    %rem3A_98 = vector.broadcast %select_n3A_97 : i32 to vector<2x1000xi32>
    %rem3A_99 = arith.remsi %iota3A, %rem3A_98 : vector<2x1000xi32>
    %ne3A_100 = arith.constant 0 : i32
    %ne3A_101 = vector.broadcast %ne3A_100 : i32 to vector<2x1000xi32>
    %ne3A_102 = arith.cmpi ne, %rem3A_99, %ne3A_101 : vector<2x1000xi32>
    %lt3A = arith.constant 0 : i32
    %lt3A_103 = vector.broadcast %lt3A : i32 to vector<2x1000xi32>
    %lt3A_104 = arith.cmpi slt, %rem3A_99, %lt3A_103 : vector<2x1000xi32>
    %lt3A_105 = arith.constant 0 : i32
    %lt3A_106 = arith.cmpi slt, %select_n3A_97, %lt3A_105 : i32
    %ne3A_107 = vector.broadcast %lt3A_106 : i1 to vector<2x1000xi1>
    %ne3A_108 = vector.broadcast %ne3A_107 : vector<2x1000xi1> to vector<2x1000xi1>
    %ne3A_109 = arith.xori %lt3A_104, %ne3A_108 : vector<2x1000xi1>
    %and3A_110 = arith.andi %ne3A_109, %ne3A_102 : vector<2x1000xi1>
    %add3A_111 = vector.broadcast %select_n3A_97 : i32 to vector<2x1000xi32>
    %add3A_112 = arith.addi %rem3A_99, %add3A_111 : vector<2x1000xi32>
    %select_n3A_113 = arith.select %and3A_110, %add3A_112, %rem3A_99 : vector<2x1000xi1>, vector<2x1000xi32>
    %convert_element_type3A_114 = arith.sitofp %select_n3A_113 : vector<2x1000xi32> to vector<2x1000xbf16>
    %slice3A = vector.extract_strided_slice %convert_element_type3A_92 {offsets = [0, 0], sizes = [1, 1000], strides = [1, 1]} : vector<2x1000xbf16> to vector<1x1000xbf16>
    %slice3A_115 = vector.extract_strided_slice %convert_element_type3A_114 {offsets = [1, 0], sizes = [1, 1000], strides = [1, 1]} : vector<2x1000xbf16> to vector<1x1000xbf16>
    %concatenate3A = tpu.concatenate %slice3A, %slice3A_115 in 0 : vector<1x1000xbf16>, vector<1x1000xbf16> -> vector<2x1000xbf16>
    %convert_element_type3A_116 = arith.extui %eq3A_60 : vector<1000x1024xi1> to vector<1000x1024xi32>
    %convert_element_type3A_117 = arith.sitofp %convert_element_type3A_116 : vector<1000x1024xi32> to vector<1000x1024xf32>
    %convert_element_type3A_118 = arith.truncf %convert_element_type3A_117 : vector<1000x1024xf32> to vector<1000x1024xbf16>
    %convert_element_type3A_119 = arith.extui %eq3A_66 : vector<1000x1024xi1> to vector<1000x1024xi32>
    %convert_element_type3A_120 = arith.sitofp %convert_element_type3A_119 : vector<1000x1024xi32> to vector<1000x1024xf32>
    %convert_element_type3A_121 = arith.truncf %convert_element_type3A_120 : vector<1000x1024xf32> to vector<1000x1024xbf16>
    %dot_general3A_122 = arith.constant dense<0.000000e+00> : vector<2x1024xf32>
    %dot_general3A_123 = tpu.matmul %concatenate3A, %convert_element_type3A_118, %dot_general3A_122 {dimension_numbers = #tpu.dot_dimension_numbers<[1], [0], [0], [1], [0, 0, 1, 1], [], []>, transpose_lhs_hint = false} : vector<2x1000xbf16>, vector<1000x1024xbf16>, vector<2x1024xf32> -> vector<2x1024xf32>
    %dot_general3A_124 = arith.constant dense<0.000000e+00> : vector<2x1024xf32>
    %dot_general3A_125 = tpu.matmul %concatenate3A, %convert_element_type3A_121, %dot_general3A_124 {dimension_numbers = #tpu.dot_dimension_numbers<[1], [0], [0], [1], [0, 0, 1, 1], [], []>, transpose_lhs_hint = false} : vector<2x1000xbf16>, vector<1000x1024xbf16>, vector<2x1024xf32> -> vector<2x1024xf32>
    %slice3A_126 = vector.extract_strided_slice %dot_general3A_123 {offsets = [0, 0], sizes = [1, 1024], strides = [1, 1]} : vector<2x1024xf32> to vector<1x1024xf32>
    %mul3A_127 = arith.constant 2.560000e+02 : f32
    %mul3A_128 = vector.broadcast %mul3A_127 : f32 to vector<1x1024xf32>
    %mul3A_129 = arith.mulf %slice3A_126, %mul3A_128 : vector<1x1024xf32>
    %slice3A_130 = vector.extract_strided_slice %dot_general3A_123 {offsets = [1, 0], sizes = [1, 1024], strides = [1, 1]} : vector<2x1024xf32> to vector<1x1024xf32>
    %add3A_131 = arith.addf %mul3A_129, %slice3A_130 : vector<1x1024xf32>
    %convert_element_type3A_132 = arith.fptosi %add3A_131 : vector<1x1024xf32> to vector<1x1024xi32>
    %add3A_133 = vector.broadcast %add3A_41 : i32 to vector<1x1024xi32>
    %add3A_134 = arith.addi %convert_element_type3A_132, %add3A_133 : vector<1x1024xi32>
    %slice3A_135 = vector.extract_strided_slice %dot_general3A_125 {offsets = [0, 0], sizes = [1, 1024], strides = [1, 1]} : vector<2x1024xf32> to vector<1x1024xf32>
    %mul3A_136 = arith.constant 2.560000e+02 : f32
    %mul3A_137 = vector.broadcast %mul3A_136 : f32 to vector<1x1024xf32>
    %mul3A_138 = arith.mulf %slice3A_135, %mul3A_137 : vector<1x1024xf32>
    %slice3A_139 = vector.extract_strided_slice %dot_general3A_125 {offsets = [1, 0], sizes = [1, 1024], strides = [1, 1]} : vector<2x1024xf32> to vector<1x1024xf32>
    %add3A_140 = arith.addf %mul3A_138, %slice3A_139 : vector<1x1024xf32>
    %convert_element_type3A_141 = arith.fptosi %add3A_140 : vector<1x1024xf32> to vector<1x1024xi32>
    %add3A_142 = vector.broadcast %add3A_41 : i32 to vector<1x1024xi32>
    %add3A_143 = arith.addi %convert_element_type3A_141, %add3A_142 : vector<1x1024xi32>
    %get3A_144 = arith.constant 0 : index
    %get3A_145 = arith.constant 0 : index
    %get3A_146 = vector.load %arg8[%get3A_144, %get3A_145] : memref<1x1024xf32, #tpu.memory_space<vmem>>, vector<1x1024xf32>
    %get3A_147 = arith.constant 0 : index
    %get3A_148 = arith.constant 0 : index
    %get3A_149 = vector.load %arg9[%get3A_147, %get3A_148] : memref<1x1024xf32, #tpu.memory_space<vmem>>, vector<1x1024xf32>
    %get3A_150 = arith.constant 0 : index
    %get3A_151 = arith.constant 0 : index
    %get3A_152 = vector.load %arg10[%get3A_150, %get3A_151] : memref<1x1024xi32, #tpu.memory_space<vmem>>, vector<1x1024xi32>
    %get3A_153 = arith.constant 0 : index
    %get3A_154 = arith.constant 0 : index
    %get3A_155 = vector.load %arg11[%get3A_153, %get3A_154] : memref<1x1024xi32, #tpu.memory_space<vmem>>, vector<1x1024xi32>
    %ge3A = arith.cmpf oge, %get3A_146, %broadcast_in_dim3A : vector<1x1024xf32>
    %select_n3A_156 = arith.select %ge3A, %get3A_146, %broadcast_in_dim3A : vector<1x1024xi1>, vector<1x1024xf32>
    %select_n3A_157 = arith.select %ge3A, %get3A_152, %add3A_134 : vector<1x1024xi1>, vector<1x1024xi32>
    %select_n3A_158 = arith.select %ge3A, %get3A_149, %get3A_146 : vector<1x1024xi1>, vector<1x1024xf32>
    %select_n3A_159 = arith.select %ge3A, %get3A_155, %get3A_152 : vector<1x1024xi1>, vector<1x1024xi32>
    %select_n3A_160 = arith.select %ge3A, %broadcast_in_dim3A, %broadcast_in_dim3A_64 : vector<1x1024xi1>, vector<1x1024xf32>
    %select_n3A_161 = arith.select %ge3A, %add3A_134, %add3A_143 : vector<1x1024xi1>, vector<1x1024xi32>
    %ge3A_162 = arith.cmpf oge, %select_n3A_158, %select_n3A_160 : vector<1x1024xf32>
    %swap3A = arith.constant 0 : index
    %swap3A_163 = arith.constant 0 : index
    %swap3A_164 = vector.load %arg8[%swap3A, %swap3A_163] : memref<1x1024xf32, #tpu.memory_space<vmem>>, vector<1x1024xf32>
    tpu.vector_store %arg8[%swap3A, %swap3A_163], %select_n3A_156 {strides = array<i32>} : memref<1x1024xf32, #tpu.memory_space<vmem>>, vector<1x1024xf32>,
    %swap3A_165 = arith.constant 0 : index
    %swap3A_166 = arith.constant 0 : index
    %swap3A_167 = vector.load %arg10[%swap3A_165, %swap3A_166] : memref<1x1024xi32, #tpu.memory_space<vmem>>, vector<1x1024xi32>
    tpu.vector_store %arg10[%swap3A_165, %swap3A_166], %select_n3A_157 {strides = array<i32>} : memref<1x1024xi32, #tpu.memory_space<vmem>>, vector<1x1024xi32>,
    %select_n3A_168 = arith.select %ge3A_162, %select_n3A_158, %select_n3A_160 : vector<1x1024xi1>, vector<1x1024xf32>
    %swap3A_169 = arith.constant 0 : index
    %swap3A_170 = arith.constant 0 : index
    %swap3A_171 = vector.load %arg9[%swap3A_169, %swap3A_170] : memref<1x1024xf32, #tpu.memory_space<vmem>>, vector<1x1024xf32>
    tpu.vector_store %arg9[%swap3A_169, %swap3A_170], %select_n3A_168 {strides = array<i32>} : memref<1x1024xf32, #tpu.memory_space<vmem>>, vector<1x1024xf32>,
    %select_n3A_172 = arith.select %ge3A_162, %select_n3A_159, %select_n3A_161 : vector<1x1024xi1>, vector<1x1024xi32>
    %swap3A_173 = arith.constant 0 : index
    %swap3A_174 = arith.constant 0 : index
    %swap3A_175 = vector.load %arg11[%swap3A_173, %swap3A_174] : memref<1x1024xi32, #tpu.memory_space<vmem>>, vector<1x1024xi32>
    tpu.vector_store %arg11[%swap3A_173, %swap3A_174], %select_n3A_172 {strides = array<i32>} : memref<1x1024xi32, #tpu.memory_space<vmem>>, vector<1x1024xi32>,
    %reduce_max3A_176 = arith.constant dense<0xFF800000> : vector<1024xf32>
    %reduce_max3A_177 = vector.multi_reduction <maximumf>, %dot_general3A_15, %reduce_max3A_176 [0] : vector<1000x1024xf32> to vector<1024xf32>
    %broadcast_in_dim3A_178 = vector.shape_cast %reduce_max3A_177 : vector<1024xf32> to vector<1x1024xf32>
    %eq3A_179 = vector.broadcast %broadcast_in_dim3A_178 : vector<1x1024xf32> to vector<1000x1024xf32>
    %eq3A_180 = arith.cmpf oeq, %dot_general3A_15, %eq3A_179 : vector<1000x1024xf32>
    %jit3A_181 = arith.constant 0xFF800000 : f32
    %broadcast_in_dim3A_182 = vector.broadcast %jit3A_181 : f32 to vector<1000x1024xf32>
    %select_n3A_183 = arith.select %eq3A_180, %broadcast_in_dim3A_182, %dot_general3A_15 : vector<1000x1024xi1>, vector<1000x1024xf32>
    %reduce_max3A_184 = arith.constant dense<0xFF800000> : vector<1024xf32>
    %reduce_max3A_185 = vector.multi_reduction <maximumf>, %select_n3A_183, %reduce_max3A_184 [0] : vector<1000x1024xf32> to vector<1024xf32>
    %broadcast_in_dim3A_186 = vector.shape_cast %reduce_max3A_185 : vector<1024xf32> to vector<1x1024xf32>
    %eq3A_187 = vector.broadcast %broadcast_in_dim3A_186 : vector<1x1024xf32> to vector<1000x1024xf32>
    %eq3A_188 = arith.cmpf oeq, %dot_general3A_15, %eq3A_187 : vector<1000x1024xf32>
    %iota3A_189 = tpu.iota {dimensions = array<i32: 1>} : vector<2x1000xi32>
    %jit3A_190 = arith.constant 256 : i32
    %div3A_191 = vector.broadcast %jit3A_190 : i32 to vector<2x1000xi32>
    %div3A_192 = arith.divsi %iota3A_189, %div3A_191 : vector<2x1000xi32>
    %sign3A_193 = arith.constant 0 : i32
    %sign3A_194 = vector.broadcast %sign3A_193 : i32 to vector<2x1000xi32>
    %sign3A_195 = arith.cmpi sgt, %iota3A_189, %sign3A_194 : vector<2x1000xi32>
    %sign3A_196 = arith.extui %sign3A_195 : vector<2x1000xi1> to vector<2x1000xi32>
    %sign3A_197 = arith.constant 0 : i32
    %sign3A_198 = vector.broadcast %sign3A_197 : i32 to vector<2x1000xi32>
    %sign3A_199 = arith.cmpi slt, %iota3A_189, %sign3A_198 : vector<2x1000xi32>
    %sign3A_200 = arith.extui %sign3A_199 : vector<2x1000xi1> to vector<2x1000xi32>
    %sign3A_201 = arith.subi %sign3A_196, %sign3A_200 : vector<2x1000xi32>
    %sign3A_202 = arith.constant 0 : i32
    %sign3A_203 = arith.cmpi sgt, %jit3A_190, %sign3A_202 : i32
    %sign3A_204 = arith.extui %sign3A_203 : i1 to i32
    %sign3A_205 = arith.constant 0 : i32
    %sign3A_206 = arith.cmpi slt, %jit3A_190, %sign3A_205 : i32
    %sign3A_207 = arith.extui %sign3A_206 : i1 to i32
    %sign3A_208 = arith.subi %sign3A_204, %sign3A_207 : i32
    %ne3A_209 = vector.broadcast %sign3A_208 : i32 to vector<2x1000xi32>
    %ne3A_210 = arith.cmpi ne, %sign3A_201, %ne3A_209 : vector<2x1000xi32>
    %rem3A_211 = vector.broadcast %jit3A_190 : i32 to vector<2x1000xi32>
    %rem3A_212 = arith.remsi %iota3A_189, %rem3A_211 : vector<2x1000xi32>
    %ne3A_213 = arith.constant 0 : i32
    %ne3A_214 = vector.broadcast %ne3A_213 : i32 to vector<2x1000xi32>
    %ne3A_215 = arith.cmpi ne, %rem3A_212, %ne3A_214 : vector<2x1000xi32>
    %and3A_216 = arith.andi %ne3A_210, %ne3A_215 : vector<2x1000xi1>
    %sub3A_217 = arith.constant 1 : i32
    %sub3A_218 = vector.broadcast %sub3A_217 : i32 to vector<2x1000xi32>
    %sub3A_219 = arith.subi %div3A_192, %sub3A_218 : vector<2x1000xi32>
    %select_n3A_220 = arith.select %and3A_216, %sub3A_219, %div3A_192 : vector<2x1000xi1>, vector<2x1000xi32>
    %convert_element_type3A_221 = arith.sitofp %select_n3A_220 : vector<2x1000xi32> to vector<2x1000xbf16>
    %jit3A_222 = arith.constant 256 : i32
    %eq3A_223 = arith.constant 0 : i32
    %eq3A_224 = arith.cmpi eq, %jit3A_222, %eq3A_223 : i32
    %jit3A_225 = arith.constant 1 : i32
    %select_n3A_226 = arith.select %eq3A_224, %jit3A_225, %jit3A_222 : i32
    %rem3A_227 = vector.broadcast %select_n3A_226 : i32 to vector<2x1000xi32>
    %rem3A_228 = arith.remsi %iota3A_189, %rem3A_227 : vector<2x1000xi32>
    %ne3A_229 = arith.constant 0 : i32
    %ne3A_230 = vector.broadcast %ne3A_229 : i32 to vector<2x1000xi32>
    %ne3A_231 = arith.cmpi ne, %rem3A_228, %ne3A_230 : vector<2x1000xi32>
    %lt3A_232 = arith.constant 0 : i32
    %lt3A_233 = vector.broadcast %lt3A_232 : i32 to vector<2x1000xi32>
    %lt3A_234 = arith.cmpi slt, %rem3A_228, %lt3A_233 : vector<2x1000xi32>
    %lt3A_235 = arith.constant 0 : i32
    %lt3A_236 = arith.cmpi slt, %select_n3A_226, %lt3A_235 : i32
    %ne3A_237 = vector.broadcast %lt3A_236 : i1 to vector<2x1000xi1>
    %ne3A_238 = vector.broadcast %ne3A_237 : vector<2x1000xi1> to vector<2x1000xi1>
    %ne3A_239 = arith.xori %lt3A_234, %ne3A_238 : vector<2x1000xi1>
    %and3A_240 = arith.andi %ne3A_239, %ne3A_231 : vector<2x1000xi1>
    %add3A_241 = vector.broadcast %select_n3A_226 : i32 to vector<2x1000xi32>
    %add3A_242 = arith.addi %rem3A_228, %add3A_241 : vector<2x1000xi32>
    %select_n3A_243 = arith.select %and3A_240, %add3A_242, %rem3A_228 : vector<2x1000xi1>, vector<2x1000xi32>
    %convert_element_type3A_244 = arith.sitofp %select_n3A_243 : vector<2x1000xi32> to vector<2x1000xbf16>
    %slice3A_245 = vector.extract_strided_slice %convert_element_type3A_221 {offsets = [0, 0], sizes = [1, 1000], strides = [1, 1]} : vector<2x1000xbf16> to vector<1x1000xbf16>
    %slice3A_246 = vector.extract_strided_slice %convert_element_type3A_244 {offsets = [1, 0], sizes = [1, 1000], strides = [1, 1]} : vector<2x1000xbf16> to vector<1x1000xbf16>
    %concatenate3A_247 = tpu.concatenate %slice3A_245, %slice3A_246 in 0 : vector<1x1000xbf16>, vector<1x1000xbf16> -> vector<2x1000xbf16>
    %convert_element_type3A_248 = arith.extui %eq3A_180 : vector<1000x1024xi1> to vector<1000x1024xi32>
    %convert_element_type3A_249 = arith.sitofp %convert_element_type3A_248 : vector<1000x1024xi32> to vector<1000x1024xf32>
    %convert_element_type3A_250 = arith.truncf %convert_element_type3A_249 : vector<1000x1024xf32> to vector<1000x1024xbf16>
    %convert_element_type3A_251 = arith.extui %eq3A_188 : vector<1000x1024xi1> to vector<1000x1024xi32>
    %convert_element_type3A_252 = arith.sitofp %convert_element_type3A_251 : vector<1000x1024xi32> to vector<1000x1024xf32>
    %convert_element_type3A_253 = arith.truncf %convert_element_type3A_252 : vector<1000x1024xf32> to vector<1000x1024xbf16>
    %dot_general3A_254 = arith.constant dense<0.000000e+00> : vector<2x1024xf32>
    %dot_general3A_255 = tpu.matmul %concatenate3A_247, %convert_element_type3A_250, %dot_general3A_254 {dimension_numbers = #tpu.dot_dimension_numbers<[1], [0], [0], [1], [0, 0, 1, 1], [], []>, transpose_lhs_hint = false} : vector<2x1000xbf16>, vector<1000x1024xbf16>, vector<2x1024xf32> -> vector<2x1024xf32>
    %dot_general3A_256 = arith.constant dense<0.000000e+00> : vector<2x1024xf32>
    %dot_general3A_257 = tpu.matmul %concatenate3A_247, %convert_element_type3A_253, %dot_general3A_256 {dimension_numbers = #tpu.dot_dimension_numbers<[1], [0], [0], [1], [0, 0, 1, 1], [], []>, transpose_lhs_hint = false} : vector<2x1000xbf16>, vector<1000x1024xbf16>, vector<2x1024xf32> -> vector<2x1024xf32>
    %slice3A_258 = vector.extract_strided_slice %dot_general3A_255 {offsets = [0, 0], sizes = [1, 1024], strides = [1, 1]} : vector<2x1024xf32> to vector<1x1024xf32>
    %mul3A_259 = arith.constant 2.560000e+02 : f32
    %mul3A_260 = vector.broadcast %mul3A_259 : f32 to vector<1x1024xf32>
    %mul3A_261 = arith.mulf %slice3A_258, %mul3A_260 : vector<1x1024xf32>
    %slice3A_262 = vector.extract_strided_slice %dot_general3A_255 {offsets = [1, 0], sizes = [1, 1024], strides = [1, 1]} : vector<2x1024xf32> to vector<1x1024xf32>
    %add3A_263 = arith.addf %mul3A_261, %slice3A_262 : vector<1x1024xf32>
    %convert_element_type3A_264 = arith.fptosi %add3A_263 : vector<1x1024xf32> to vector<1x1024xi32>
    %add3A_265 = vector.broadcast %add3A_45 : i32 to vector<1x1024xi32>
    %add3A_266 = arith.addi %convert_element_type3A_264, %add3A_265 : vector<1x1024xi32>
    %slice3A_267 = vector.extract_strided_slice %dot_general3A_257 {offsets = [0, 0], sizes = [1, 1024], strides = [1, 1]} : vector<2x1024xf32> to vector<1x1024xf32>
    %mul3A_268 = arith.constant 2.560000e+02 : f32
    %mul3A_269 = vector.broadcast %mul3A_268 : f32 to vector<1x1024xf32>
    %mul3A_270 = arith.mulf %slice3A_267, %mul3A_269 : vector<1x1024xf32>
    %slice3A_271 = vector.extract_strided_slice %dot_general3A_257 {offsets = [1, 0], sizes = [1, 1024], strides = [1, 1]} : vector<2x1024xf32> to vector<1x1024xf32>
    %add3A_272 = arith.addf %mul3A_270, %slice3A_271 : vector<1x1024xf32>
    %convert_element_type3A_273 = arith.fptosi %add3A_272 : vector<1x1024xf32> to vector<1x1024xi32>
    %add3A_274 = vector.broadcast %add3A_45 : i32 to vector<1x1024xi32>
    %add3A_275 = arith.addi %convert_element_type3A_273, %add3A_274 : vector<1x1024xi32>
    %get3A_276 = arith.constant 0 : index
    %get3A_277 = arith.constant 0 : index
    %get3A_278 = vector.load %arg8[%get3A_276, %get3A_277] : memref<1x1024xf32, #tpu.memory_space<vmem>>, vector<1x1024xf32>
    %get3A_279 = arith.constant 0 : index
    %get3A_280 = arith.constant 0 : index
    %get3A_281 = vector.load %arg9[%get3A_279, %get3A_280] : memref<1x1024xf32, #tpu.memory_space<vmem>>, vector<1x1024xf32>
    %get3A_282 = arith.constant 0 : index
    %get3A_283 = arith.constant 0 : index
    %get3A_284 = vector.load %arg10[%get3A_282, %get3A_283] : memref<1x1024xi32, #tpu.memory_space<vmem>>, vector<1x1024xi32>
    %get3A_285 = arith.constant 0 : index
    %get3A_286 = arith.constant 0 : index
    %get3A_287 = vector.load %arg11[%get3A_285, %get3A_286] : memref<1x1024xi32, #tpu.memory_space<vmem>>, vector<1x1024xi32>
    %ge3A_288 = arith.cmpf oge, %get3A_278, %broadcast_in_dim3A_178 : vector<1x1024xf32>
    %select_n3A_289 = arith.select %ge3A_288, %get3A_278, %broadcast_in_dim3A_178 : vector<1x1024xi1>, vector<1x1024xf32>
    %select_n3A_290 = arith.select %ge3A_288, %get3A_284, %add3A_266 : vector<1x1024xi1>, vector<1x1024xi32>
    %select_n3A_291 = arith.select %ge3A_288, %get3A_281, %get3A_278 : vector<1x1024xi1>, vector<1x1024xf32>
    %select_n3A_292 = arith.select %ge3A_288, %get3A_287, %get3A_284 : vector<1x1024xi1>, vector<1x1024xi32>
    %select_n3A_293 = arith.select %ge3A_288, %broadcast_in_dim3A_178, %broadcast_in_dim3A_186 : vector<1x1024xi1>, vector<1x1024xf32>
    %select_n3A_294 = arith.select %ge3A_288, %add3A_266, %add3A_275 : vector<1x1024xi1>, vector<1x1024xi32>
    %ge3A_295 = arith.cmpf oge, %select_n3A_291, %select_n3A_293 : vector<1x1024xf32>
    %swap3A_296 = arith.constant 0 : index
    %swap3A_297 = arith.constant 0 : index
    %swap3A_298 = vector.load %arg8[%swap3A_296, %swap3A_297] : memref<1x1024xf32, #tpu.memory_space<vmem>>, vector<1x1024xf32>
    tpu.vector_store %arg8[%swap3A_296, %swap3A_297], %select_n3A_289 {strides = array<i32>} : memref<1x1024xf32, #tpu.memory_space<vmem>>, vector<1x1024xf32>,
    %swap3A_299 = arith.constant 0 : index
    %swap3A_300 = arith.constant 0 : index
    %swap3A_301 = vector.load %arg10[%swap3A_299, %swap3A_300] : memref<1x1024xi32, #tpu.memory_space<vmem>>, vector<1x1024xi32>
    tpu.vector_store %arg10[%swap3A_299, %swap3A_300], %select_n3A_290 {strides = array<i32>} : memref<1x1024xi32, #tpu.memory_space<vmem>>, vector<1x1024xi32>,
    %select_n3A_302 = arith.select %ge3A_295, %select_n3A_291, %select_n3A_293 : vector<1x1024xi1>, vector<1x1024xf32>
    %swap3A_303 = arith.constant 0 : index
    %swap3A_304 = arith.constant 0 : index
    %swap3A_305 = vector.load %arg9[%swap3A_303, %swap3A_304] : memref<1x1024xf32, #tpu.memory_space<vmem>>, vector<1x1024xf32>
    tpu.vector_store %arg9[%swap3A_303, %swap3A_304], %select_n3A_302 {strides = array<i32>} : memref<1x1024xf32, #tpu.memory_space<vmem>>, vector<1x1024xf32>,
    %select_n3A_306 = arith.select %ge3A_295, %select_n3A_292, %select_n3A_294 : vector<1x1024xi1>, vector<1x1024xi32>
    %swap3A_307 = arith.constant 0 : index
    %swap3A_308 = arith.constant 0 : index
    %swap3A_309 = vector.load %arg11[%swap3A_307, %swap3A_308] : memref<1x1024xi32, #tpu.memory_space<vmem>>, vector<1x1024xi32>
    tpu.vector_store %arg11[%swap3A_307, %swap3A_308], %select_n3A_306 {strides = array<i32>} : memref<1x1024xi32, #tpu.memory_space<vmem>>, vector<1x1024xi32>,
    %reduce_max3A_310 = arith.constant dense<0xFF800000> : vector<1024xf32>
    %reduce_max3A_311 = vector.multi_reduction <maximumf>, %dot_general3A_23, %reduce_max3A_310 [0] : vector<1000x1024xf32> to vector<1024xf32>
    %broadcast_in_dim3A_312 = vector.shape_cast %reduce_max3A_311 : vector<1024xf32> to vector<1x1024xf32>
    %eq3A_313 = vector.broadcast %broadcast_in_dim3A_312 : vector<1x1024xf32> to vector<1000x1024xf32>
    %eq3A_314 = arith.cmpf oeq, %dot_general3A_23, %eq3A_313 : vector<1000x1024xf32>
    %jit3A_315 = arith.constant 0xFF800000 : f32
    %broadcast_in_dim3A_316 = vector.broadcast %jit3A_315 : f32 to vector<1000x1024xf32>
    %select_n3A_317 = arith.select %eq3A_314, %broadcast_in_dim3A_316, %dot_general3A_23 : vector<1000x1024xi1>, vector<1000x1024xf32>
    %reduce_max3A_318 = arith.constant dense<0xFF800000> : vector<1024xf32>
    %reduce_max3A_319 = vector.multi_reduction <maximumf>, %select_n3A_317, %reduce_max3A_318 [0] : vector<1000x1024xf32> to vector<1024xf32>
    %broadcast_in_dim3A_320 = vector.shape_cast %reduce_max3A_319 : vector<1024xf32> to vector<1x1024xf32>
    %eq3A_321 = vector.broadcast %broadcast_in_dim3A_320 : vector<1x1024xf32> to vector<1000x1024xf32>
    %eq3A_322 = arith.cmpf oeq, %dot_general3A_23, %eq3A_321 : vector<1000x1024xf32>
    %iota3A_323 = tpu.iota {dimensions = array<i32: 1>} : vector<2x1000xi32>
    %jit3A_324 = arith.constant 256 : i32
    %div3A_325 = vector.broadcast %jit3A_324 : i32 to vector<2x1000xi32>
    %div3A_326 = arith.divsi %iota3A_323, %div3A_325 : vector<2x1000xi32>
    %sign3A_327 = arith.constant 0 : i32
    %sign3A_328 = vector.broadcast %sign3A_327 : i32 to vector<2x1000xi32>
    %sign3A_329 = arith.cmpi sgt, %iota3A_323, %sign3A_328 : vector<2x1000xi32>
    %sign3A_330 = arith.extui %sign3A_329 : vector<2x1000xi1> to vector<2x1000xi32>
    %sign3A_331 = arith.constant 0 : i32
    %sign3A_332 = vector.broadcast %sign3A_331 : i32 to vector<2x1000xi32>
    %sign3A_333 = arith.cmpi slt, %iota3A_323, %sign3A_332 : vector<2x1000xi32>
    %sign3A_334 = arith.extui %sign3A_333 : vector<2x1000xi1> to vector<2x1000xi32>
    %sign3A_335 = arith.subi %sign3A_330, %sign3A_334 : vector<2x1000xi32>
    %sign3A_336 = arith.constant 0 : i32
    %sign3A_337 = arith.cmpi sgt, %jit3A_324, %sign3A_336 : i32
    %sign3A_338 = arith.extui %sign3A_337 : i1 to i32
    %sign3A_339 = arith.constant 0 : i32
    %sign3A_340 = arith.cmpi slt, %jit3A_324, %sign3A_339 : i32
    %sign3A_341 = arith.extui %sign3A_340 : i1 to i32
    %sign3A_342 = arith.subi %sign3A_338, %sign3A_341 : i32
    %ne3A_343 = vector.broadcast %sign3A_342 : i32 to vector<2x1000xi32>
    %ne3A_344 = arith.cmpi ne, %sign3A_335, %ne3A_343 : vector<2x1000xi32>
    %rem3A_345 = vector.broadcast %jit3A_324 : i32 to vector<2x1000xi32>
    %rem3A_346 = arith.remsi %iota3A_323, %rem3A_345 : vector<2x1000xi32>
    %ne3A_347 = arith.constant 0 : i32
    %ne3A_348 = vector.broadcast %ne3A_347 : i32 to vector<2x1000xi32>
    %ne3A_349 = arith.cmpi ne, %rem3A_346, %ne3A_348 : vector<2x1000xi32>
    %and3A_350 = arith.andi %ne3A_344, %ne3A_349 : vector<2x1000xi1>
    %sub3A_351 = arith.constant 1 : i32
    %sub3A_352 = vector.broadcast %sub3A_351 : i32 to vector<2x1000xi32>
    %sub3A_353 = arith.subi %div3A_326, %sub3A_352 : vector<2x1000xi32>
    %select_n3A_354 = arith.select %and3A_350, %sub3A_353, %div3A_326 : vector<2x1000xi1>, vector<2x1000xi32>
    %convert_element_type3A_355 = arith.sitofp %select_n3A_354 : vector<2x1000xi32> to vector<2x1000xbf16>
    %jit3A_356 = arith.constant 256 : i32
    %eq3A_357 = arith.constant 0 : i32
    %eq3A_358 = arith.cmpi eq, %jit3A_356, %eq3A_357 : i32
    %jit3A_359 = arith.constant 1 : i32
    %select_n3A_360 = arith.select %eq3A_358, %jit3A_359, %jit3A_356 : i32
    %rem3A_361 = vector.broadcast %select_n3A_360 : i32 to vector<2x1000xi32>
    %rem3A_362 = arith.remsi %iota3A_323, %rem3A_361 : vector<2x1000xi32>
    %ne3A_363 = arith.constant 0 : i32
    %ne3A_364 = vector.broadcast %ne3A_363 : i32 to vector<2x1000xi32>
    %ne3A_365 = arith.cmpi ne, %rem3A_362, %ne3A_364 : vector<2x1000xi32>
    %lt3A_366 = arith.constant 0 : i32
    %lt3A_367 = vector.broadcast %lt3A_366 : i32 to vector<2x1000xi32>
    %lt3A_368 = arith.cmpi slt, %rem3A_362, %lt3A_367 : vector<2x1000xi32>
    %lt3A_369 = arith.constant 0 : i32
    %lt3A_370 = arith.cmpi slt, %select_n3A_360, %lt3A_369 : i32
    %ne3A_371 = vector.broadcast %lt3A_370 : i1 to vector<2x1000xi1>
    %ne3A_372 = vector.broadcast %ne3A_371 : vector<2x1000xi1> to vector<2x1000xi1>
    %ne3A_373 = arith.xori %lt3A_368, %ne3A_372 : vector<2x1000xi1>
    %and3A_374 = arith.andi %ne3A_373, %ne3A_365 : vector<2x1000xi1>
    %add3A_375 = vector.broadcast %select_n3A_360 : i32 to vector<2x1000xi32>
    %add3A_376 = arith.addi %rem3A_362, %add3A_375 : vector<2x1000xi32>
    %select_n3A_377 = arith.select %and3A_374, %add3A_376, %rem3A_362 : vector<2x1000xi1>, vector<2x1000xi32>
    %convert_element_type3A_378 = arith.sitofp %select_n3A_377 : vector<2x1000xi32> to vector<2x1000xbf16>
    %slice3A_379 = vector.extract_strided_slice %convert_element_type3A_355 {offsets = [0, 0], sizes = [1, 1000], strides = [1, 1]} : vector<2x1000xbf16> to vector<1x1000xbf16>
    %slice3A_380 = vector.extract_strided_slice %convert_element_type3A_378 {offsets = [1, 0], sizes = [1, 1000], strides = [1, 1]} : vector<2x1000xbf16> to vector<1x1000xbf16>
    %concatenate3A_381 = tpu.concatenate %slice3A_379, %slice3A_380 in 0 : vector<1x1000xbf16>, vector<1x1000xbf16> -> vector<2x1000xbf16>
    %convert_element_type3A_382 = arith.extui %eq3A_314 : vector<1000x1024xi1> to vector<1000x1024xi32>
    %convert_element_type3A_383 = arith.sitofp %convert_element_type3A_382 : vector<1000x1024xi32> to vector<1000x1024xf32>
    %convert_element_type3A_384 = arith.truncf %convert_element_type3A_383 : vector<1000x1024xf32> to vector<1000x1024xbf16>
    %convert_element_type3A_385 = arith.extui %eq3A_322 : vector<1000x1024xi1> to vector<1000x1024xi32>
    %convert_element_type3A_386 = arith.sitofp %convert_element_type3A_385 : vector<1000x1024xi32> to vector<1000x1024xf32>
    %convert_element_type3A_387 = arith.truncf %convert_element_type3A_386 : vector<1000x1024xf32> to vector<1000x1024xbf16>
    %dot_general3A_388 = arith.constant dense<0.000000e+00> : vector<2x1024xf32>
    %dot_general3A_389 = tpu.matmul %concatenate3A_381, %convert_element_type3A_384, %dot_general3A_388 {dimension_numbers = #tpu.dot_dimension_numbers<[1], [0], [0], [1], [0, 0, 1, 1], [], []>, transpose_lhs_hint = false} : vector<2x1000xbf16>, vector<1000x1024xbf16>, vector<2x1024xf32> -> vector<2x1024xf32>
    %dot_general3A_390 = arith.constant dense<0.000000e+00> : vector<2x1024xf32>
    %dot_general3A_391 = tpu.matmul %concatenate3A_381, %convert_element_type3A_387, %dot_general3A_390 {dimension_numbers = #tpu.dot_dimension_numbers<[1], [0], [0], [1], [0, 0, 1, 1], [], []>, transpose_lhs_hint = false} : vector<2x1000xbf16>, vector<1000x1024xbf16>, vector<2x1024xf32> -> vector<2x1024xf32>
    %slice3A_392 = vector.extract_strided_slice %dot_general3A_389 {offsets = [0, 0], sizes = [1, 1024], strides = [1, 1]} : vector<2x1024xf32> to vector<1x1024xf32>
    %mul3A_393 = arith.constant 2.560000e+02 : f32
    %mul3A_394 = vector.broadcast %mul3A_393 : f32 to vector<1x1024xf32>
    %mul3A_395 = arith.mulf %slice3A_392, %mul3A_394 : vector<1x1024xf32>
    %slice3A_396 = vector.extract_strided_slice %dot_general3A_389 {offsets = [1, 0], sizes = [1, 1024], strides = [1, 1]} : vector<2x1024xf32> to vector<1x1024xf32>
    %add3A_397 = arith.addf %mul3A_395, %slice3A_396 : vector<1x1024xf32>
    %convert_element_type3A_398 = arith.fptosi %add3A_397 : vector<1x1024xf32> to vector<1x1024xi32>
    %add3A_399 = vector.broadcast %add3A_49 : i32 to vector<1x1024xi32>
    %add3A_400 = arith.addi %convert_element_type3A_398, %add3A_399 : vector<1x1024xi32>
    %slice3A_401 = vector.extract_strided_slice %dot_general3A_391 {offsets = [0, 0], sizes = [1, 1024], strides = [1, 1]} : vector<2x1024xf32> to vector<1x1024xf32>
    %mul3A_402 = arith.constant 2.560000e+02 : f32
    %mul3A_403 = vector.broadcast %mul3A_402 : f32 to vector<1x1024xf32>
    %mul3A_404 = arith.mulf %slice3A_401, %mul3A_403 : vector<1x1024xf32>
    %slice3A_405 = vector.extract_strided_slice %dot_general3A_391 {offsets = [1, 0], sizes = [1, 1024], strides = [1, 1]} : vector<2x1024xf32> to vector<1x1024xf32>
    %add3A_406 = arith.addf %mul3A_404, %slice3A_405 : vector<1x1024xf32>
    %convert_element_type3A_407 = arith.fptosi %add3A_406 : vector<1x1024xf32> to vector<1x1024xi32>
    %add3A_408 = vector.broadcast %add3A_49 : i32 to vector<1x1024xi32>
    %add3A_409 = arith.addi %convert_element_type3A_407, %add3A_408 : vector<1x1024xi32>
    %get3A_410 = arith.constant 0 : index
    %get3A_411 = arith.constant 0 : index
    %get3A_412 = vector.load %arg8[%get3A_410, %get3A_411] : memref<1x1024xf32, #tpu.memory_space<vmem>>, vector<1x1024xf32>
    %get3A_413 = arith.constant 0 : index
    %get3A_414 = arith.constant 0 : index
    %get3A_415 = vector.load %arg9[%get3A_413, %get3A_414] : memref<1x1024xf32, #tpu.memory_space<vmem>>, vector<1x1024xf32>
    %get3A_416 = arith.constant 0 : index
    %get3A_417 = arith.constant 0 : index
    %get3A_418 = vector.load %arg10[%get3A_416, %get3A_417] : memref<1x1024xi32, #tpu.memory_space<vmem>>, vector<1x1024xi32>
    %get3A_419 = arith.constant 0 : index
    %get3A_420 = arith.constant 0 : index
    %get3A_421 = vector.load %arg11[%get3A_419, %get3A_420] : memref<1x1024xi32, #tpu.memory_space<vmem>>, vector<1x1024xi32>
    %ge3A_422 = arith.cmpf oge, %get3A_412, %broadcast_in_dim3A_312 : vector<1x1024xf32>
    %select_n3A_423 = arith.select %ge3A_422, %get3A_412, %broadcast_in_dim3A_312 : vector<1x1024xi1>, vector<1x1024xf32>
    %select_n3A_424 = arith.select %ge3A_422, %get3A_418, %add3A_400 : vector<1x1024xi1>, vector<1x1024xi32>
    %select_n3A_425 = arith.select %ge3A_422, %get3A_415, %get3A_412 : vector<1x1024xi1>, vector<1x1024xf32>
    %select_n3A_426 = arith.select %ge3A_422, %get3A_421, %get3A_418 : vector<1x1024xi1>, vector<1x1024xi32>
    %select_n3A_427 = arith.select %ge3A_422, %broadcast_in_dim3A_312, %broadcast_in_dim3A_320 : vector<1x1024xi1>, vector<1x1024xf32>
    %select_n3A_428 = arith.select %ge3A_422, %add3A_400, %add3A_409 : vector<1x1024xi1>, vector<1x1024xi32>
    %ge3A_429 = arith.cmpf oge, %select_n3A_425, %select_n3A_427 : vector<1x1024xf32>
    %swap3A_430 = arith.constant 0 : index
    %swap3A_431 = arith.constant 0 : index
    %swap3A_432 = vector.load %arg8[%swap3A_430, %swap3A_431] : memref<1x1024xf32, #tpu.memory_space<vmem>>, vector<1x1024xf32>
    tpu.vector_store %arg8[%swap3A_430, %swap3A_431], %select_n3A_423 {strides = array<i32>} : memref<1x1024xf32, #tpu.memory_space<vmem>>, vector<1x1024xf32>,
    %swap3A_433 = arith.constant 0 : index
    %swap3A_434 = arith.constant 0 : index
    %swap3A_435 = vector.load %arg10[%swap3A_433, %swap3A_434] : memref<1x1024xi32, #tpu.memory_space<vmem>>, vector<1x1024xi32>
    tpu.vector_store %arg10[%swap3A_433, %swap3A_434], %select_n3A_424 {strides = array<i32>} : memref<1x1024xi32, #tpu.memory_space<vmem>>, vector<1x1024xi32>,
    %select_n3A_436 = arith.select %ge3A_429, %select_n3A_425, %select_n3A_427 : vector<1x1024xi1>, vector<1x1024xf32>
    %swap3A_437 = arith.constant 0 : index
    %swap3A_438 = arith.constant 0 : index
    %swap3A_439 = vector.load %arg9[%swap3A_437, %swap3A_438] : memref<1x1024xf32, #tpu.memory_space<vmem>>, vector<1x1024xf32>
    tpu.vector_store %arg9[%swap3A_437, %swap3A_438], %select_n3A_436 {strides = array<i32>} : memref<1x1024xf32, #tpu.memory_space<vmem>>, vector<1x1024xf32>,
    %select_n3A_440 = arith.select %ge3A_429, %select_n3A_426, %select_n3A_428 : vector<1x1024xi1>, vector<1x1024xi32>
    %swap3A_441 = arith.constant 0 : index
    %swap3A_442 = arith.constant 0 : index
    %swap3A_443 = vector.load %arg11[%swap3A_441, %swap3A_442] : memref<1x1024xi32, #tpu.memory_space<vmem>>, vector<1x1024xi32>
    tpu.vector_store %arg11[%swap3A_441, %swap3A_442], %select_n3A_440 {strides = array<i32>} : memref<1x1024xi32, #tpu.memory_space<vmem>>, vector<1x1024xi32>,
    %reduce_max3A_444 = arith.constant dense<0xFF800000> : vector<1024xf32>
    %reduce_max3A_445 = vector.multi_reduction <maximumf>, %dot_general3A_31, %reduce_max3A_444 [0] : vector<1000x1024xf32> to vector<1024xf32>
    %broadcast_in_dim3A_446 = vector.shape_cast %reduce_max3A_445 : vector<1024xf32> to vector<1x1024xf32>
    %eq3A_447 = vector.broadcast %broadcast_in_dim3A_446 : vector<1x1024xf32> to vector<1000x1024xf32>
    %eq3A_448 = arith.cmpf oeq, %dot_general3A_31, %eq3A_447 : vector<1000x1024xf32>
    %jit3A_449 = arith.constant 0xFF800000 : f32
    %broadcast_in_dim3A_450 = vector.broadcast %jit3A_449 : f32 to vector<1000x1024xf32>
    %select_n3A_451 = arith.select %eq3A_448, %broadcast_in_dim3A_450, %dot_general3A_31 : vector<1000x1024xi1>, vector<1000x1024xf32>
    %reduce_max3A_452 = arith.constant dense<0xFF800000> : vector<1024xf32>
    %reduce_max3A_453 = vector.multi_reduction <maximumf>, %select_n3A_451, %reduce_max3A_452 [0] : vector<1000x1024xf32> to vector<1024xf32>
    %broadcast_in_dim3A_454 = vector.shape_cast %reduce_max3A_453 : vector<1024xf32> to vector<1x1024xf32>
    %eq3A_455 = vector.broadcast %broadcast_in_dim3A_454 : vector<1x1024xf32> to vector<1000x1024xf32>
    %eq3A_456 = arith.cmpf oeq, %dot_general3A_31, %eq3A_455 : vector<1000x1024xf32>
    %iota3A_457 = tpu.iota {dimensions = array<i32: 1>} : vector<2x1000xi32>
    %jit3A_458 = arith.constant 256 : i32
    %div3A_459 = vector.broadcast %jit3A_458 : i32 to vector<2x1000xi32>
    %div3A_460 = arith.divsi %iota3A_457, %div3A_459 : vector<2x1000xi32>
    %sign3A_461 = arith.constant 0 : i32
    %sign3A_462 = vector.broadcast %sign3A_461 : i32 to vector<2x1000xi32>
    %sign3A_463 = arith.cmpi sgt, %iota3A_457, %sign3A_462 : vector<2x1000xi32>
    %sign3A_464 = arith.extui %sign3A_463 : vector<2x1000xi1> to vector<2x1000xi32>
    %sign3A_465 = arith.constant 0 : i32
    %sign3A_466 = vector.broadcast %sign3A_465 : i32 to vector<2x1000xi32>
    %sign3A_467 = arith.cmpi slt, %iota3A_457, %sign3A_466 : vector<2x1000xi32>
    %sign3A_468 = arith.extui %sign3A_467 : vector<2x1000xi1> to vector<2x1000xi32>
    %sign3A_469 = arith.subi %sign3A_464, %sign3A_468 : vector<2x1000xi32>
    %sign3A_470 = arith.constant 0 : i32
    %sign3A_471 = arith.cmpi sgt, %jit3A_458, %sign3A_470 : i32
    %sign3A_472 = arith.extui %sign3A_471 : i1 to i32
    %sign3A_473 = arith.constant 0 : i32
    %sign3A_474 = arith.cmpi slt, %jit3A_458, %sign3A_473 : i32
    %sign3A_475 = arith.extui %sign3A_474 : i1 to i32
    %sign3A_476 = arith.subi %sign3A_472, %sign3A_475 : i32
    %ne3A_477 = vector.broadcast %sign3A_476 : i32 to vector<2x1000xi32>
    %ne3A_478 = arith.cmpi ne, %sign3A_469, %ne3A_477 : vector<2x1000xi32>
    %rem3A_479 = vector.broadcast %jit3A_458 : i32 to vector<2x1000xi32>
    %rem3A_480 = arith.remsi %iota3A_457, %rem3A_479 : vector<2x1000xi32>
    %ne3A_481 = arith.constant 0 : i32
    %ne3A_482 = vector.broadcast %ne3A_481 : i32 to vector<2x1000xi32>
    %ne3A_483 = arith.cmpi ne, %rem3A_480, %ne3A_482 : vector<2x1000xi32>
    %and3A_484 = arith.andi %ne3A_478, %ne3A_483 : vector<2x1000xi1>
    %sub3A_485 = arith.constant 1 : i32
    %sub3A_486 = vector.broadcast %sub3A_485 : i32 to vector<2x1000xi32>
    %sub3A_487 = arith.subi %div3A_460, %sub3A_486 : vector<2x1000xi32>
    %select_n3A_488 = arith.select %and3A_484, %sub3A_487, %div3A_460 : vector<2x1000xi1>, vector<2x1000xi32>
    %convert_element_type3A_489 = arith.sitofp %select_n3A_488 : vector<2x1000xi32> to vector<2x1000xbf16>
    %jit3A_490 = arith.constant 256 : i32
    %eq3A_491 = arith.constant 0 : i32
    %eq3A_492 = arith.cmpi eq, %jit3A_490, %eq3A_491 : i32
    %jit3A_493 = arith.constant 1 : i32
    %select_n3A_494 = arith.select %eq3A_492, %jit3A_493, %jit3A_490 : i32
    %rem3A_495 = vector.broadcast %select_n3A_494 : i32 to vector<2x1000xi32>
    %rem3A_496 = arith.remsi %iota3A_457, %rem3A_495 : vector<2x1000xi32>
    %ne3A_497 = arith.constant 0 : i32
    %ne3A_498 = vector.broadcast %ne3A_497 : i32 to vector<2x1000xi32>
    %ne3A_499 = arith.cmpi ne, %rem3A_496, %ne3A_498 : vector<2x1000xi32>
    %lt3A_500 = arith.constant 0 : i32
    %lt3A_501 = vector.broadcast %lt3A_500 : i32 to vector<2x1000xi32>
    %lt3A_502 = arith.cmpi slt, %rem3A_496, %lt3A_501 : vector<2x1000xi32>
    %lt3A_503 = arith.constant 0 : i32
    %lt3A_504 = arith.cmpi slt, %select_n3A_494, %lt3A_503 : i32
    %ne3A_505 = vector.broadcast %lt3A_504 : i1 to vector<2x1000xi1>
    %ne3A_506 = vector.broadcast %ne3A_505 : vector<2x1000xi1> to vector<2x1000xi1>
    %ne3A_507 = arith.xori %lt3A_502, %ne3A_506 : vector<2x1000xi1>
    %and3A_508 = arith.andi %ne3A_507, %ne3A_499 : vector<2x1000xi1>
    %add3A_509 = vector.broadcast %select_n3A_494 : i32 to vector<2x1000xi32>
    %add3A_510 = arith.addi %rem3A_496, %add3A_509 : vector<2x1000xi32>
    %select_n3A_511 = arith.select %and3A_508, %add3A_510, %rem3A_496 : vector<2x1000xi1>, vector<2x1000xi32>
    %convert_element_type3A_512 = arith.sitofp %select_n3A_511 : vector<2x1000xi32> to vector<2x1000xbf16>
    %slice3A_513 = vector.extract_strided_slice %convert_element_type3A_489 {offsets = [0, 0], sizes = [1, 1000], strides = [1, 1]} : vector<2x1000xbf16> to vector<1x1000xbf16>
    %slice3A_514 = vector.extract_strided_slice %convert_element_type3A_512 {offsets = [1, 0], sizes = [1, 1000], strides = [1, 1]} : vector<2x1000xbf16> to vector<1x1000xbf16>
    %concatenate3A_515 = tpu.concatenate %slice3A_513, %slice3A_514 in 0 : vector<1x1000xbf16>, vector<1x1000xbf16> -> vector<2x1000xbf16>
    %convert_element_type3A_516 = arith.extui %eq3A_448 : vector<1000x1024xi1> to vector<1000x1024xi32>
    %convert_element_type3A_517 = arith.sitofp %convert_element_type3A_516 : vector<1000x1024xi32> to vector<1000x1024xf32>
    %convert_element_type3A_518 = arith.truncf %convert_element_type3A_517 : vector<1000x1024xf32> to vector<1000x1024xbf16>
    %convert_element_type3A_519 = arith.extui %eq3A_456 : vector<1000x1024xi1> to vector<1000x1024xi32>
    %convert_element_type3A_520 = arith.sitofp %convert_element_type3A_519 : vector<1000x1024xi32> to vector<1000x1024xf32>
    %convert_element_type3A_521 = arith.truncf %convert_element_type3A_520 : vector<1000x1024xf32> to vector<1000x1024xbf16>
    %dot_general3A_522 = arith.constant dense<0.000000e+00> : vector<2x1024xf32>
    %dot_general3A_523 = tpu.matmul %concatenate3A_515, %convert_element_type3A_518, %dot_general3A_522 {dimension_numbers = #tpu.dot_dimension_numbers<[1], [0], [0], [1], [0, 0, 1, 1], [], []>, transpose_lhs_hint = false} : vector<2x1000xbf16>, vector<1000x1024xbf16>, vector<2x1024xf32> -> vector<2x1024xf32>
    %dot_general3A_524 = arith.constant dense<0.000000e+00> : vector<2x1024xf32>
    %dot_general3A_525 = tpu.matmul %concatenate3A_515, %convert_element_type3A_521, %dot_general3A_524 {dimension_numbers = #tpu.dot_dimension_numbers<[1], [0], [0], [1], [0, 0, 1, 1], [], []>, transpose_lhs_hint = false} : vector<2x1000xbf16>, vector<1000x1024xbf16>, vector<2x1024xf32> -> vector<2x1024xf32>
    %slice3A_526 = vector.extract_strided_slice %dot_general3A_523 {offsets = [0, 0], sizes = [1, 1024], strides = [1, 1]} : vector<2x1024xf32> to vector<1x1024xf32>
    %mul3A_527 = arith.constant 2.560000e+02 : f32
    %mul3A_528 = vector.broadcast %mul3A_527 : f32 to vector<1x1024xf32>
    %mul3A_529 = arith.mulf %slice3A_526, %mul3A_528 : vector<1x1024xf32>
    %slice3A_530 = vector.extract_strided_slice %dot_general3A_523 {offsets = [1, 0], sizes = [1, 1024], strides = [1, 1]} : vector<2x1024xf32> to vector<1x1024xf32>
    %add3A_531 = arith.addf %mul3A_529, %slice3A_530 : vector<1x1024xf32>
    %convert_element_type3A_532 = arith.fptosi %add3A_531 : vector<1x1024xf32> to vector<1x1024xi32>
    %add3A_533 = vector.broadcast %add3A_53 : i32 to vector<1x1024xi32>
    %add3A_534 = arith.addi %convert_element_type3A_532, %add3A_533 : vector<1x1024xi32>
    %slice3A_535 = vector.extract_strided_slice %dot_general3A_525 {offsets = [0, 0], sizes = [1, 1024], strides = [1, 1]} : vector<2x1024xf32> to vector<1x1024xf32>
    %mul3A_536 = arith.constant 2.560000e+02 : f32
    %mul3A_537 = vector.broadcast %mul3A_536 : f32 to vector<1x1024xf32>
    %mul3A_538 = arith.mulf %slice3A_535, %mul3A_537 : vector<1x1024xf32>
    %slice3A_539 = vector.extract_strided_slice %dot_general3A_525 {offsets = [1, 0], sizes = [1, 1024], strides = [1, 1]} : vector<2x1024xf32> to vector<1x1024xf32>
    %add3A_540 = arith.addf %mul3A_538, %slice3A_539 : vector<1x1024xf32>
    %convert_element_type3A_541 = arith.fptosi %add3A_540 : vector<1x1024xf32> to vector<1x1024xi32>
    %add3A_542 = vector.broadcast %add3A_53 : i32 to vector<1x1024xi32>
    %add3A_543 = arith.addi %convert_element_type3A_541, %add3A_542 : vector<1x1024xi32>
    %get3A_544 = arith.constant 0 : index
    %get3A_545 = arith.constant 0 : index
    %get3A_546 = vector.load %arg8[%get3A_544, %get3A_545] : memref<1x1024xf32, #tpu.memory_space<vmem>>, vector<1x1024xf32>
    %get3A_547 = arith.constant 0 : index
    %get3A_548 = arith.constant 0 : index
    %get3A_549 = vector.load %arg9[%get3A_547, %get3A_548] : memref<1x1024xf32, #tpu.memory_space<vmem>>, vector<1x1024xf32>
    %get3A_550 = arith.constant 0 : index
    %get3A_551 = arith.constant 0 : index
    %get3A_552 = vector.load %arg10[%get3A_550, %get3A_551] : memref<1x1024xi32, #tpu.memory_space<vmem>>, vector<1x1024xi32>
    %get3A_553 = arith.constant 0 : index
    %get3A_554 = arith.constant 0 : index
    %get3A_555 = vector.load %arg11[%get3A_553, %get3A_554] : memref<1x1024xi32, #tpu.memory_space<vmem>>, vector<1x1024xi32>
    %ge3A_556 = arith.cmpf oge, %get3A_546, %broadcast_in_dim3A_446 : vector<1x1024xf32>
    %select_n3A_557 = arith.select %ge3A_556, %get3A_546, %broadcast_in_dim3A_446 : vector<1x1024xi1>, vector<1x1024xf32>
    %select_n3A_558 = arith.select %ge3A_556, %get3A_552, %add3A_534 : vector<1x1024xi1>, vector<1x1024xi32>
    %select_n3A_559 = arith.select %ge3A_556, %get3A_549, %get3A_546 : vector<1x1024xi1>, vector<1x1024xf32>
    %select_n3A_560 = arith.select %ge3A_556, %get3A_555, %get3A_552 : vector<1x1024xi1>, vector<1x1024xi32>
    %select_n3A_561 = arith.select %ge3A_556, %broadcast_in_dim3A_446, %broadcast_in_dim3A_454 : vector<1x1024xi1>, vector<1x1024xf32>
    %select_n3A_562 = arith.select %ge3A_556, %add3A_534, %add3A_543 : vector<1x1024xi1>, vector<1x1024xi32>
    %ge3A_563 = arith.cmpf oge, %select_n3A_559, %select_n3A_561 : vector<1x1024xf32>
    %swap3A_564 = arith.constant 0 : index
    %swap3A_565 = arith.constant 0 : index
    %swap3A_566 = vector.load %arg8[%swap3A_564, %swap3A_565] : memref<1x1024xf32, #tpu.memory_space<vmem>>, vector<1x1024xf32>
    tpu.vector_store %arg8[%swap3A_564, %swap3A_565], %select_n3A_557 {strides = array<i32>} : memref<1x1024xf32, #tpu.memory_space<vmem>>, vector<1x1024xf32>,
    %swap3A_567 = arith.constant 0 : index
    %swap3A_568 = arith.constant 0 : index
    %swap3A_569 = vector.load %arg10[%swap3A_567, %swap3A_568] : memref<1x1024xi32, #tpu.memory_space<vmem>>, vector<1x1024xi32>
    tpu.vector_store %arg10[%swap3A_567, %swap3A_568], %select_n3A_558 {strides = array<i32>} : memref<1x1024xi32, #tpu.memory_space<vmem>>, vector<1x1024xi32>,
    %select_n3A_570 = arith.select %ge3A_563, %select_n3A_559, %select_n3A_561 : vector<1x1024xi1>, vector<1x1024xf32>
    %swap3A_571 = arith.constant 0 : index
    %swap3A_572 = arith.constant 0 : index
    %swap3A_573 = vector.load %arg9[%swap3A_571, %swap3A_572] : memref<1x1024xf32, #tpu.memory_space<vmem>>, vector<1x1024xf32>
    tpu.vector_store %arg9[%swap3A_571, %swap3A_572], %select_n3A_570 {strides = array<i32>} : memref<1x1024xf32, #tpu.memory_space<vmem>>, vector<1x1024xf32>,
    %select_n3A_574 = arith.select %ge3A_563, %select_n3A_560, %select_n3A_562 : vector<1x1024xi1>, vector<1x1024xi32>
    %swap3A_575 = arith.constant 0 : index
    %swap3A_576 = arith.constant 0 : index
    %swap3A_577 = vector.load %arg11[%swap3A_575, %swap3A_576] : memref<1x1024xi32, #tpu.memory_space<vmem>>, vector<1x1024xi32>
    tpu.vector_store %arg11[%swap3A_575, %swap3A_576], %select_n3A_574 {strides = array<i32>} : memref<1x1024xi32, #tpu.memory_space<vmem>>, vector<1x1024xi32>,
    %reduce_max3A_578 = arith.constant dense<0xFF800000> : vector<1024xf32>
    %reduce_max3A_579 = vector.multi_reduction <maximumf>, %dot_general3A_39, %reduce_max3A_578 [0] : vector<1000x1024xf32> to vector<1024xf32>
    %broadcast_in_dim3A_580 = vector.shape_cast %reduce_max3A_579 : vector<1024xf32> to vector<1x1024xf32>
    %eq3A_581 = vector.broadcast %broadcast_in_dim3A_580 : vector<1x1024xf32> to vector<1000x1024xf32>
    %eq3A_582 = arith.cmpf oeq, %dot_general3A_39, %eq3A_581 : vector<1000x1024xf32>
    %jit3A_583 = arith.constant 0xFF800000 : f32
    %broadcast_in_dim3A_584 = vector.broadcast %jit3A_583 : f32 to vector<1000x1024xf32>
    %select_n3A_585 = arith.select %eq3A_582, %broadcast_in_dim3A_584, %dot_general3A_39 : vector<1000x1024xi1>, vector<1000x1024xf32>
    %reduce_max3A_586 = arith.constant dense<0xFF800000> : vector<1024xf32>
    %reduce_max3A_587 = vector.multi_reduction <maximumf>, %select_n3A_585, %reduce_max3A_586 [0] : vector<1000x1024xf32> to vector<1024xf32>
    %broadcast_in_dim3A_588 = vector.shape_cast %reduce_max3A_587 : vector<1024xf32> to vector<1x1024xf32>
    %eq3A_589 = vector.broadcast %broadcast_in_dim3A_588 : vector<1x1024xf32> to vector<1000x1024xf32>
    %eq3A_590 = arith.cmpf oeq, %dot_general3A_39, %eq3A_589 : vector<1000x1024xf32>
    %iota3A_591 = tpu.iota {dimensions = array<i32: 1>} : vector<2x1000xi32>
    %jit3A_592 = arith.constant 256 : i32
    %div3A_593 = vector.broadcast %jit3A_592 : i32 to vector<2x1000xi32>
    %div3A_594 = arith.divsi %iota3A_591, %div3A_593 : vector<2x1000xi32>
    %sign3A_595 = arith.constant 0 : i32
    %sign3A_596 = vector.broadcast %sign3A_595 : i32 to vector<2x1000xi32>
    %sign3A_597 = arith.cmpi sgt, %iota3A_591, %sign3A_596 : vector<2x1000xi32>
    %sign3A_598 = arith.extui %sign3A_597 : vector<2x1000xi1> to vector<2x1000xi32>
    %sign3A_599 = arith.constant 0 : i32
    %sign3A_600 = vector.broadcast %sign3A_599 : i32 to vector<2x1000xi32>
    %sign3A_601 = arith.cmpi slt, %iota3A_591, %sign3A_600 : vector<2x1000xi32>
    %sign3A_602 = arith.extui %sign3A_601 : vector<2x1000xi1> to vector<2x1000xi32>
    %sign3A_603 = arith.subi %sign3A_598, %sign3A_602 : vector<2x1000xi32>
    %sign3A_604 = arith.constant 0 : i32
    %sign3A_605 = arith.cmpi sgt, %jit3A_592, %sign3A_604 : i32
    %sign3A_606 = arith.extui %sign3A_605 : i1 to i32
    %sign3A_607 = arith.constant 0 : i32
    %sign3A_608 = arith.cmpi slt, %jit3A_592, %sign3A_607 : i32
    %sign3A_609 = arith.extui %sign3A_608 : i1 to i32
    %sign3A_610 = arith.subi %sign3A_606, %sign3A_609 : i32
    %ne3A_611 = vector.broadcast %sign3A_610 : i32 to vector<2x1000xi32>
    %ne3A_612 = arith.cmpi ne, %sign3A_603, %ne3A_611 : vector<2x1000xi32>
    %rem3A_613 = vector.broadcast %jit3A_592 : i32 to vector<2x1000xi32>
    %rem3A_614 = arith.remsi %iota3A_591, %rem3A_613 : vector<2x1000xi32>
    %ne3A_615 = arith.constant 0 : i32
    %ne3A_616 = vector.broadcast %ne3A_615 : i32 to vector<2x1000xi32>
    %ne3A_617 = arith.cmpi ne, %rem3A_614, %ne3A_616 : vector<2x1000xi32>
    %and3A_618 = arith.andi %ne3A_612, %ne3A_617 : vector<2x1000xi1>
    %sub3A_619 = arith.constant 1 : i32
    %sub3A_620 = vector.broadcast %sub3A_619 : i32 to vector<2x1000xi32>
    %sub3A_621 = arith.subi %div3A_594, %sub3A_620 : vector<2x1000xi32>
    %select_n3A_622 = arith.select %and3A_618, %sub3A_621, %div3A_594 : vector<2x1000xi1>, vector<2x1000xi32>
    %convert_element_type3A_623 = arith.sitofp %select_n3A_622 : vector<2x1000xi32> to vector<2x1000xbf16>
    %jit3A_624 = arith.constant 256 : i32
    %eq3A_625 = arith.constant 0 : i32
    %eq3A_626 = arith.cmpi eq, %jit3A_624, %eq3A_625 : i32
    %jit3A_627 = arith.constant 1 : i32
    %select_n3A_628 = arith.select %eq3A_626, %jit3A_627, %jit3A_624 : i32
    %rem3A_629 = vector.broadcast %select_n3A_628 : i32 to vector<2x1000xi32>
    %rem3A_630 = arith.remsi %iota3A_591, %rem3A_629 : vector<2x1000xi32>
    %ne3A_631 = arith.constant 0 : i32
    %ne3A_632 = vector.broadcast %ne3A_631 : i32 to vector<2x1000xi32>
    %ne3A_633 = arith.cmpi ne, %rem3A_630, %ne3A_632 : vector<2x1000xi32>
    %lt3A_634 = arith.constant 0 : i32
    %lt3A_635 = vector.broadcast %lt3A_634 : i32 to vector<2x1000xi32>
    %lt3A_636 = arith.cmpi slt, %rem3A_630, %lt3A_635 : vector<2x1000xi32>
    %lt3A_637 = arith.constant 0 : i32
    %lt3A_638 = arith.cmpi slt, %select_n3A_628, %lt3A_637 : i32
    %ne3A_639 = vector.broadcast %lt3A_638 : i1 to vector<2x1000xi1>
    %ne3A_640 = vector.broadcast %ne3A_639 : vector<2x1000xi1> to vector<2x1000xi1>
    %ne3A_641 = arith.xori %lt3A_636, %ne3A_640 : vector<2x1000xi1>
    %and3A_642 = arith.andi %ne3A_641, %ne3A_633 : vector<2x1000xi1>
    %add3A_643 = vector.broadcast %select_n3A_628 : i32 to vector<2x1000xi32>
    %add3A_644 = arith.addi %rem3A_630, %add3A_643 : vector<2x1000xi32>
    %select_n3A_645 = arith.select %and3A_642, %add3A_644, %rem3A_630 : vector<2x1000xi1>, vector<2x1000xi32>
    %convert_element_type3A_646 = arith.sitofp %select_n3A_645 : vector<2x1000xi32> to vector<2x1000xbf16>
    %slice3A_647 = vector.extract_strided_slice %convert_element_type3A_623 {offsets = [0, 0], sizes = [1, 1000], strides = [1, 1]} : vector<2x1000xbf16> to vector<1x1000xbf16>
    %slice3A_648 = vector.extract_strided_slice %convert_element_type3A_646 {offsets = [1, 0], sizes = [1, 1000], strides = [1, 1]} : vector<2x1000xbf16> to vector<1x1000xbf16>
    %concatenate3A_649 = tpu.concatenate %slice3A_647, %slice3A_648 in 0 : vector<1x1000xbf16>, vector<1x1000xbf16> -> vector<2x1000xbf16>
    %convert_element_type3A_650 = arith.extui %eq3A_582 : vector<1000x1024xi1> to vector<1000x1024xi32>
    %convert_element_type3A_651 = arith.sitofp %convert_element_type3A_650 : vector<1000x1024xi32> to vector<1000x1024xf32>
    %convert_element_type3A_652 = arith.truncf %convert_element_type3A_651 : vector<1000x1024xf32> to vector<1000x1024xbf16>
    %convert_element_type3A_653 = arith.extui %eq3A_590 : vector<1000x1024xi1> to vector<1000x1024xi32>
    %convert_element_type3A_654 = arith.sitofp %convert_element_type3A_653 : vector<1000x1024xi32> to vector<1000x1024xf32>
    %convert_element_type3A_655 = arith.truncf %convert_element_type3A_654 : vector<1000x1024xf32> to vector<1000x1024xbf16>
    %dot_general3A_656 = arith.constant dense<0.000000e+00> : vector<2x1024xf32>
    %dot_general3A_657 = tpu.matmul %concatenate3A_649, %convert_element_type3A_652, %dot_general3A_656 {dimension_numbers = #tpu.dot_dimension_numbers<[1], [0], [0], [1], [0, 0, 1, 1], [], []>, transpose_lhs_hint = false} : vector<2x1000xbf16>, vector<1000x1024xbf16>, vector<2x1024xf32> -> vector<2x1024xf32>
    %dot_general3A_658 = arith.constant dense<0.000000e+00> : vector<2x1024xf32>
    %dot_general3A_659 = tpu.matmul %concatenate3A_649, %convert_element_type3A_655, %dot_general3A_658 {dimension_numbers = #tpu.dot_dimension_numbers<[1], [0], [0], [1], [0, 0, 1, 1], [], []>, transpose_lhs_hint = false} : vector<2x1000xbf16>, vector<1000x1024xbf16>, vector<2x1024xf32> -> vector<2x1024xf32>
    %slice3A_660 = vector.extract_strided_slice %dot_general3A_657 {offsets = [0, 0], sizes = [1, 1024], strides = [1, 1]} : vector<2x1024xf32> to vector<1x1024xf32>
    %mul3A_661 = arith.constant 2.560000e+02 : f32
    %mul3A_662 = vector.broadcast %mul3A_661 : f32 to vector<1x1024xf32>
    %mul3A_663 = arith.mulf %slice3A_660, %mul3A_662 : vector<1x1024xf32>
    %slice3A_664 = vector.extract_strided_slice %dot_general3A_657 {offsets = [1, 0], sizes = [1, 1024], strides = [1, 1]} : vector<2x1024xf32> to vector<1x1024xf32>
    %add3A_665 = arith.addf %mul3A_663, %slice3A_664 : vector<1x1024xf32>
    %convert_element_type3A_666 = arith.fptosi %add3A_665 : vector<1x1024xf32> to vector<1x1024xi32>
    %add3A_667 = vector.broadcast %add3A_57 : i32 to vector<1x1024xi32>
    %add3A_668 = arith.addi %convert_element_type3A_666, %add3A_667 : vector<1x1024xi32>
    %slice3A_669 = vector.extract_strided_slice %dot_general3A_659 {offsets = [0, 0], sizes = [1, 1024], strides = [1, 1]} : vector<2x1024xf32> to vector<1x1024xf32>
    %mul3A_670 = arith.constant 2.560000e+02 : f32
    %mul3A_671 = vector.broadcast %mul3A_670 : f32 to vector<1x1024xf32>
    %mul3A_672 = arith.mulf %slice3A_669, %mul3A_671 : vector<1x1024xf32>
    %slice3A_673 = vector.extract_strided_slice %dot_general3A_659 {offsets = [1, 0], sizes = [1, 1024], strides = [1, 1]} : vector<2x1024xf32> to vector<1x1024xf32>
    %add3A_674 = arith.addf %mul3A_672, %slice3A_673 : vector<1x1024xf32>
    %convert_element_type3A_675 = arith.fptosi %add3A_674 : vector<1x1024xf32> to vector<1x1024xi32>
    %add3A_676 = vector.broadcast %add3A_57 : i32 to vector<1x1024xi32>
    %add3A_677 = arith.addi %convert_element_type3A_675, %add3A_676 : vector<1x1024xi32>
    %get3A_678 = arith.constant 0 : index
    %get3A_679 = arith.constant 0 : index
    %get3A_680 = vector.load %arg8[%get3A_678, %get3A_679] : memref<1x1024xf32, #tpu.memory_space<vmem>>, vector<1x1024xf32>
    %get3A_681 = arith.constant 0 : index
    %get3A_682 = arith.constant 0 : index
    %get3A_683 = vector.load %arg9[%get3A_681, %get3A_682] : memref<1x1024xf32, #tpu.memory_space<vmem>>, vector<1x1024xf32>
    %get3A_684 = arith.constant 0 : index
    %get3A_685 = arith.constant 0 : index
    %get3A_686 = vector.load %arg10[%get3A_684, %get3A_685] : memref<1x1024xi32, #tpu.memory_space<vmem>>, vector<1x1024xi32>
    %get3A_687 = arith.constant 0 : index
    %get3A_688 = arith.constant 0 : index
    %get3A_689 = vector.load %arg11[%get3A_687, %get3A_688] : memref<1x1024xi32, #tpu.memory_space<vmem>>, vector<1x1024xi32>
    %ge3A_690 = arith.cmpf oge, %get3A_680, %broadcast_in_dim3A_580 : vector<1x1024xf32>
    %select_n3A_691 = arith.select %ge3A_690, %get3A_680, %broadcast_in_dim3A_580 : vector<1x1024xi1>, vector<1x1024xf32>
    %select_n3A_692 = arith.select %ge3A_690, %get3A_686, %add3A_668 : vector<1x1024xi1>, vector<1x1024xi32>
    %select_n3A_693 = arith.select %ge3A_690, %get3A_683, %get3A_680 : vector<1x1024xi1>, vector<1x1024xf32>
    %select_n3A_694 = arith.select %ge3A_690, %get3A_689, %get3A_686 : vector<1x1024xi1>, vector<1x1024xi32>
    %select_n3A_695 = arith.select %ge3A_690, %broadcast_in_dim3A_580, %broadcast_in_dim3A_588 : vector<1x1024xi1>, vector<1x1024xf32>
    %select_n3A_696 = arith.select %ge3A_690, %add3A_668, %add3A_677 : vector<1x1024xi1>, vector<1x1024xi32>
    %ge3A_697 = arith.cmpf oge, %select_n3A_693, %select_n3A_695 : vector<1x1024xf32>
    %swap3A_698 = arith.constant 0 : index
    %swap3A_699 = arith.constant 0 : index
    %swap3A_700 = vector.load %arg8[%swap3A_698, %swap3A_699] : memref<1x1024xf32, #tpu.memory_space<vmem>>, vector<1x1024xf32>
    tpu.vector_store %arg8[%swap3A_698, %swap3A_699], %select_n3A_691 {strides = array<i32>} : memref<1x1024xf32, #tpu.memory_space<vmem>>, vector<1x1024xf32>,
    %swap3A_701 = arith.constant 0 : index
    %swap3A_702 = arith.constant 0 : index
    %swap3A_703 = vector.load %arg10[%swap3A_701, %swap3A_702] : memref<1x1024xi32, #tpu.memory_space<vmem>>, vector<1x1024xi32>
    tpu.vector_store %arg10[%swap3A_701, %swap3A_702], %select_n3A_692 {strides = array<i32>} : memref<1x1024xi32, #tpu.memory_space<vmem>>, vector<1x1024xi32>,
    %select_n3A_704 = arith.select %ge3A_697, %select_n3A_693, %select_n3A_695 : vector<1x1024xi1>, vector<1x1024xf32>
    %swap3A_705 = arith.constant 0 : index
    %swap3A_706 = arith.constant 0 : index
    %swap3A_707 = vector.load %arg9[%swap3A_705, %swap3A_706] : memref<1x1024xf32, #tpu.memory_space<vmem>>, vector<1x1024xf32>
    tpu.vector_store %arg9[%swap3A_705, %swap3A_706], %select_n3A_704 {strides = array<i32>} : memref<1x1024xf32, #tpu.memory_space<vmem>>, vector<1x1024xf32>,
    %select_n3A_708 = arith.select %ge3A_697, %select_n3A_694, %select_n3A_696 : vector<1x1024xi1>, vector<1x1024xi32>
    %swap3A_709 = arith.constant 0 : index
    %swap3A_710 = arith.constant 0 : index
    %swap3A_711 = vector.load %arg11[%swap3A_709, %swap3A_710] : memref<1x1024xi32, #tpu.memory_space<vmem>>, vector<1x1024xi32>
    tpu.vector_store %arg11[%swap3A_709, %swap3A_710], %select_n3A_708 {strides = array<i32>} : memref<1x1024xi32, #tpu.memory_space<vmem>>, vector<1x1024xi32>,
    %eq3A_712 = arith.constant 19 : i32
    %eq3A_713 = arith.cmpi eq, %arg0, %eq3A_712 : i32
    %convert_element_type3A_714 = arith.extui %eq3A_713 : i1 to i32
    %cond3A_715 = arith.constant 0 : i32
    %cond3A_716 = arith.cmpi ne, %convert_element_type3A_714, %cond3A_715 : i32
    scf.if %cond3A_716 {
      %get3A_717 = arith.constant 0 : index
      %get3A_718 = arith.constant 0 : index
      %get3A_719 = vector.load %arg10[%get3A_717, %get3A_718] : memref<1x1024xi32, #tpu.memory_space<vmem>>, vector<1x1024xi32>
      %get3A_720 = arith.constant 0 : index
      %get3A_721 = arith.constant 0 : index
      %get3A_722 = vector.load %arg11[%get3A_720, %get3A_721] : memref<1x1024xi32, #tpu.memory_space<vmem>>, vector<1x1024xi32>
      %concatenate3A_723 = tpu.concatenate %get3A_719, %get3A_722 in 0 : vector<1x1024xi32>, vector<1x1024xi32> -> vector<2x1024xi32>
      %swap3A_724 = arith.constant 0 : index
      %swap3A_725 = arith.constant 0 : index
      %swap3A_726 = vector.load %arg6[%swap3A_724, %swap3A_725] : memref<2x1024xi32, #tpu.memory_space<vmem>>, vector<2x1024xi32>
      tpu.vector_store %arg6[%swap3A_724, %swap3A_725], %concatenate3A_723 {strides = array<i32>} : memref<2x1024xi32, #tpu.memory_space<vmem>>, vector<2x1024xi32>,
    } else {
    }
    return
  }
  func.func @transform_0(%arg0: i32) -> (i32, i32) {
    %c0_i32 = arith.constant 0 : i32
    %c0_i32_0 = arith.constant 0 : i32
    %c0_i32_1 = arith.constant 0 : i32
    return %c0_i32, %c0_i32_0 : i32, i32
  }
  func.func @transform_1(%arg0: i32) -> (i32, i32) {
    %c0_i32 = arith.constant 0 : i32
    %c0_i32_0 = arith.constant 0 : i32
    %c0_i32_1 = arith.constant 0 : i32
    return %c0_i32, %c0_i32_0 : i32, i32
  }
  func.func @transform_2(%arg0: i32) -> (i32, i32) {
    %c0_i32 = arith.constant 0 : i32
    %c0_i32_0 = arith.constant 0 : i32
    %c0_i32_1 = arith.constant 0 : i32
    return %c0_i32, %c0_i32_0 : i32, i32
  }
  func.func @transform_3(%arg0: i32) -> (i32, i32) {
    %c0_i32 = arith.constant 0 : i32
    %c0_i32_0 = arith.constant 0 : i32
    return %arg0, %c0_i32 : i32, i32
  }
  func.func @transform_4(%arg0: i32) -> (i32, i32) {
    %c0_i32 = arith.constant 0 : i32
    %c0_i32_0 = arith.constant 0 : i32
    %c0_i32_1 = arith.constant 0 : i32
    return %c0_i32, %c0_i32_0 : i32, i32
  }
  func.func @transform_5(%arg0: i32) -> (i32, i32) {
    %c0_i32 = arith.constant 0 : i32
    %c0_i32_0 = arith.constant 0 : i32
    %c0_i32_1 = arith.constant 0 : i32
    return %c0_i32, %c0_i32_0 : i32, i32
  }
}

module attributes {stable_mosaic.version = 14 : i64} {
  func.func @_layer_body(%arg0: i32, %arg1: memref<512x1024xf32, #tpu.memory_space<vmem>>, %arg2: memref<1024x1024xf32, #tpu.memory_space<vmem>>, %arg3: memref<512x1024xf32, #tpu.memory_space<vmem>>) attributes {dimension_semantics = [#tpu.dimension_semantics<parallel>], iteration_bounds = array<i64: 4>, scalar_prefetch = 0 : i64, scratch_operands = 0 : i64, tpu.core_type = #tpu.core_type<tc>, window_params = [{transform_indices = @transform_0, window_bounds = array<i64: 512, 1024>}, {pipeline_mode = #tpu.pipeline_mode<synchronous>, transform_indices = @transform_1, window_bounds = array<i64: 1024, 1024>}, {transform_indices = @transform_2, window_bounds = array<i64: 512, 1024>}]} {
    %get3A = arith.constant 0 : index
    %get3A_0 = arith.constant 0 : index
    %get3A_1 = vector.load %arg1[%get3A, %get3A_0] : memref<512x1024xf32, #tpu.memory_space<vmem>>, vector<512x1024xf32>
    %get3A_2 = arith.constant 0 : index
    %get3A_3 = arith.constant 0 : index
    %get3A_4 = vector.load %arg2[%get3A_2, %get3A_3] : memref<1024x1024xf32, #tpu.memory_space<vmem>>, vector<1024x1024xf32>
    %dot_general3A = arith.constant dense<0.000000e+00> : vector<512x1024xf32>
    %dot_general3A_5 = tpu.matmul %get3A_1, %get3A_4, %dot_general3A {dimension_numbers = #tpu.dot_dimension_numbers<[1], [1], [0], [0], [0, 0, 1, 0], [], []>, transpose_lhs_hint = false} : vector<512x1024xf32>, vector<1024x1024xf32>, vector<512x1024xf32> -> vector<512x1024xf32>
    %swap3A = arith.constant 0 : index
    %swap3A_6 = arith.constant 0 : index
    %swap3A_7 = vector.load %arg3[%swap3A, %swap3A_6] : memref<512x1024xf32, #tpu.memory_space<vmem>>, vector<512x1024xf32>
    tpu.vector_store %arg3[%swap3A, %swap3A_6], %dot_general3A_5 {strides = array<i32>} : memref<512x1024xf32, #tpu.memory_space<vmem>>, vector<512x1024xf32>,
    return
  }
  func.func @transform_0(%arg0: i32) -> (i32, i32) {
    %c0_i32 = arith.constant 0 : i32
    %c0_i32_0 = arith.constant 0 : i32
    return %arg0, %c0_i32 : i32, i32
  }
  func.func @transform_1(%arg0: i32) -> (i32, i32) {
    %c0_i32 = arith.constant 0 : i32
    %c0_i32_0 = arith.constant 0 : i32
    %c0_i32_1 = arith.constant 0 : i32
    return %c0_i32, %c0_i32_0 : i32, i32
  }
  func.func @transform_2(%arg0: i32) -> (i32, i32) {
    %c0_i32 = arith.constant 0 : i32
    %c0_i32_0 = arith.constant 0 : i32
    return %arg0, %c0_i32 : i32, i32
  }
}

module attributes {stable_mosaic.version = 14 : i64} {
  func.func @_attn_body(%arg0: i32, %arg1: memref<512x128xf32, #tpu.memory_space<vmem>>, %arg2: memref<2048x128xf32, #tpu.memory_space<vmem>>, %arg3: memref<2048x128xf32, #tpu.memory_space<vmem>>, %arg4: memref<512x1024xf32, #tpu.memory_space<vmem>>, %arg5: memref<32x128xf32, #tpu.memory_space<vmem>>, %arg6: memref<1024x32xf32, #tpu.memory_space<vmem>>, %arg7: memref<512x1024xf32, #tpu.memory_space<vmem>>) attributes {dimension_semantics = [#tpu.dimension_semantics<parallel>], iteration_bounds = array<i64: 4>, scalar_prefetch = 0 : i64, scratch_operands = 0 : i64, tpu.core_type = #tpu.core_type<tc>, window_params = [{transform_indices = @transform_0, window_bounds = array<i64: 512, 128>}, {pipeline_mode = #tpu.pipeline_mode<synchronous>, transform_indices = @transform_1, window_bounds = array<i64: 2048, 128>}, {pipeline_mode = #tpu.pipeline_mode<synchronous>, transform_indices = @transform_2, window_bounds = array<i64: 2048, 128>}, {transform_indices = @transform_3, window_bounds = array<i64: 512, 1024>}, {pipeline_mode = #tpu.pipeline_mode<synchronous>, transform_indices = @transform_4, window_bounds = array<i64: 32, 128>}, {pipeline_mode = #tpu.pipeline_mode<synchronous>, transform_indices = @transform_5, window_bounds = array<i64: 1024, 32>}, {transform_indices = @transform_6, window_bounds = array<i64: 512, 1024>}]} {
    %get3A = arith.constant 0 : index
    %get3A_0 = arith.constant 0 : index
    %get3A_1 = vector.load %arg1[%get3A, %get3A_0] : memref<512x128xf32, #tpu.memory_space<vmem>>, vector<512x128xf32>
    %get3A_2 = arith.constant 0 : index
    %get3A_3 = arith.constant 0 : index
    %get3A_4 = vector.load %arg2[%get3A_2, %get3A_3] : memref<2048x128xf32, #tpu.memory_space<vmem>>, vector<2048x128xf32>
    %dot_general3A = arith.constant dense<0.000000e+00> : vector<512x2048xf32>
    %dot_general3A_5 = tpu.matmul %get3A_1, %get3A_4, %dot_general3A {dimension_numbers = #tpu.dot_dimension_numbers<[1], [1], [0], [0], [0, 0, 1, 0], [], []>, transpose_lhs_hint = false} : vector<512x128xf32>, vector<2048x128xf32>, vector<512x2048xf32> -> vector<512x2048xf32>
    %mul3A = arith.constant 0.0883883461 : f32
    %mul3A_6 = vector.broadcast %mul3A : f32 to vector<512x2048xf32>
    %mul3A_7 = arith.mulf %dot_general3A_5, %mul3A_6 : vector<512x2048xf32>
    %mul3A_8 = arith.constant 512 : i32
    %mul3A_9 = arith.muli %arg0, %mul3A_8 : i32
    %iota3A = tpu.iota {dimensions = array<i32: 0>} : vector<512x1xi32>
    %add3A = vector.broadcast %mul3A_9 : i32 to vector<512x1xi32>
    %add3A_10 = arith.addi %add3A, %iota3A : vector<512x1xi32>
    %iota3A_11 = tpu.iota {dimensions = array<i32: 1>} : vector<1x2048xi32>
    %le3A = vector.broadcast %iota3A_11 : vector<1x2048xi32> to vector<512x2048xi32>
    %le3A_12 = vector.broadcast %add3A_10 : vector<512x1xi32> to vector<512x2048xi32>
    %le3A_13 = arith.cmpi sle, %le3A, %le3A_12 : vector<512x2048xi32>
    %jit3A = arith.constant 0xFF800000 : f32
    %broadcast_in_dim3A = vector.broadcast %jit3A : f32 to vector<512x2048xf32>
    %select_n3A = arith.select %le3A_13, %mul3A_7, %broadcast_in_dim3A : vector<512x2048xi1>, vector<512x2048xf32>
    %reduce_max3A = arith.constant dense<0xFF800000> : vector<512xf32>
    %reduce_max3A_14 = vector.multi_reduction <maximumf>, %select_n3A, %reduce_max3A [1] : vector<512x2048xf32> to vector<512xf32>
    %broadcast_in_dim3A_15 = vector.shape_cast %reduce_max3A_14 : vector<512xf32> to vector<512x1xf32>
    %sub3A = vector.broadcast %broadcast_in_dim3A_15 : vector<512x1xf32> to vector<512x2048xf32>
    %sub3A_16 = arith.subf %select_n3A, %sub3A : vector<512x2048xf32>
    %exp3A = math.exp %sub3A_16 : vector<512x2048xf32>
    %reduce_sum3A = arith.constant dense<0.000000e+00> : vector<512xf32>
    %reduce_sum3A_17 = vector.multi_reduction <add>, %exp3A, %reduce_sum3A [1] : vector<512x2048xf32> to vector<512xf32>
    %broadcast_in_dim3A_18 = vector.shape_cast %reduce_sum3A_17 : vector<512xf32> to vector<512x1xf32>
    %div3A = vector.broadcast %broadcast_in_dim3A_18 : vector<512x1xf32> to vector<512x2048xf32>
    %div3A_19 = arith.divf %exp3A, %div3A : vector<512x2048xf32>
    %get3A_20 = arith.constant 0 : index
    %get3A_21 = arith.constant 0 : index
    %get3A_22 = vector.load %arg3[%get3A_20, %get3A_21] : memref<2048x128xf32, #tpu.memory_space<vmem>>, vector<2048x128xf32>
    %dot_general3A_23 = arith.constant dense<0.000000e+00> : vector<512x128xf32>
    %dot_general3A_24 = tpu.matmul %div3A_19, %get3A_22, %dot_general3A_23 {dimension_numbers = #tpu.dot_dimension_numbers<[1], [0], [0], [1], [0, 0, 1, 1], [], []>, transpose_lhs_hint = false} : vector<512x2048xf32>, vector<2048x128xf32>, vector<512x128xf32> -> vector<512x128xf32>
    %get3A_25 = arith.constant 0 : index
    %get3A_26 = arith.constant 0 : index
    %get3A_27 = vector.load %arg5[%get3A_25, %get3A_26] : memref<32x128xf32, #tpu.memory_space<vmem>>, vector<32x128xf32>
    %dot_general3A_28 = arith.constant dense<0.000000e+00> : vector<512x32xf32>
    %dot_general3A_29 = tpu.matmul %dot_general3A_24, %get3A_27, %dot_general3A_28 {dimension_numbers = #tpu.dot_dimension_numbers<[1], [1], [0], [0], [0, 0, 1, 0], [], []>, transpose_lhs_hint = false} : vector<512x128xf32>, vector<32x128xf32>, vector<512x32xf32> -> vector<512x32xf32>
    %get3A_30 = arith.constant 0 : index
    %get3A_31 = arith.constant 0 : index
    %get3A_32 = vector.load %arg6[%get3A_30, %get3A_31] : memref<1024x32xf32, #tpu.memory_space<vmem>>, vector<1024x32xf32>
    %dot_general3A_33 = arith.constant dense<0.000000e+00> : vector<512x1024xf32>
    %dot_general3A_34 = tpu.matmul %dot_general3A_29, %get3A_32, %dot_general3A_33 {dimension_numbers = #tpu.dot_dimension_numbers<[1], [1], [0], [0], [0, 0, 1, 0], [], []>, transpose_lhs_hint = false} : vector<512x32xf32>, vector<1024x32xf32>, vector<512x1024xf32> -> vector<512x1024xf32>
    %get3A_35 = arith.constant 0 : index
    %get3A_36 = arith.constant 0 : index
    %get3A_37 = vector.load %arg4[%get3A_35, %get3A_36] : memref<512x1024xf32, #tpu.memory_space<vmem>>, vector<512x1024xf32>
    %add3A_38 = arith.addf %get3A_37, %dot_general3A_34 : vector<512x1024xf32>
    %swap3A = arith.constant 0 : index
    %swap3A_39 = arith.constant 0 : index
    %swap3A_40 = vector.load %arg7[%swap3A, %swap3A_39] : memref<512x1024xf32, #tpu.memory_space<vmem>>, vector<512x1024xf32>
    tpu.vector_store %arg7[%swap3A, %swap3A_39], %add3A_38 {strides = array<i32>} : memref<512x1024xf32, #tpu.memory_space<vmem>>, vector<512x1024xf32>,
    return
  }
  func.func @transform_0(%arg0: i32) -> (i32, i32) {
    %c0_i32 = arith.constant 0 : i32
    %c0_i32_0 = arith.constant 0 : i32
    return %arg0, %c0_i32 : i32, i32
  }
  func.func @transform_1(%arg0: i32) -> (i32, i32) {
    %c0_i32 = arith.constant 0 : i32
    %c0_i32_0 = arith.constant 0 : i32
    %c0_i32_1 = arith.constant 0 : i32
    return %c0_i32, %c0_i32_0 : i32, i32
  }
  func.func @transform_2(%arg0: i32) -> (i32, i32) {
    %c0_i32 = arith.constant 0 : i32
    %c0_i32_0 = arith.constant 0 : i32
    %c0_i32_1 = arith.constant 0 : i32
    return %c0_i32, %c0_i32_0 : i32, i32
  }
  func.func @transform_3(%arg0: i32) -> (i32, i32) {
    %c0_i32 = arith.constant 0 : i32
    %c0_i32_0 = arith.constant 0 : i32
    return %arg0, %c0_i32 : i32, i32
  }
  func.func @transform_4(%arg0: i32) -> (i32, i32) {
    %c0_i32 = arith.constant 0 : i32
    %c0_i32_0 = arith.constant 0 : i32
    %c0_i32_1 = arith.constant 0 : i32
    return %c0_i32, %c0_i32_0 : i32, i32
  }
  func.func @transform_5(%arg0: i32) -> (i32, i32) {
    %c0_i32 = arith.constant 0 : i32
    %c0_i32_0 = arith.constant 0 : i32
    %c0_i32_1 = arith.constant 0 : i32
    return %c0_i32, %c0_i32_0 : i32, i32
  }
  func.func @transform_6(%arg0: i32) -> (i32, i32) {
    %c0_i32 = arith.constant 0 : i32
    %c0_i32_0 = arith.constant 0 : i32
    return %arg0, %c0_i32 : i32, i32
  }
}

</mosaic_0001>

<sc_bundles>
// kernel: kernel.6.cloned.1.call-start
scs
__scs_entry_jumppad:
0x0: {  	(pc) =	sbr.rel $0x88, $3  }
0x1: {  	(tag) =	ssettag $0x0;
	lr =	simm.s32 $0x1  }
0x2: {  	[smem:$0x3F99] =	sst lr;
	_ =	strace $0xD0000000  }
0x3: {  	_ = 	snop  }
0x4: {  	_ = 	snop  }
0x5: {  	_ = 	snop  }
0x6: {  	_ = 	snop  }
0x7: {  	_ = 	snop  }
__scs_overlays_trampoline_lowered:
0x8: {  	[smem:$0x3FA8] =	sst s0  }
0x9: {  	[smem:$0x3FA9] =	sst s1  }
0xa: {  	[smem:$0x3FAA] =	sst s2  }
0xb: {  	[smem:$0x3FAB] =	sst s3  }
0xc: {  	[smem:$0x3FAC] =	sst s4  }
0xd: {  	[smem:$0x3FAD] =	sst s5  }
0xe: {  	[smem:$0x3FAE] =	sst s6  }
0xf: {  	[smem:$0x3FAF] =	sst s7  }
0x10: {  	[smem:$0x3FB0] =	sst s8  }
0x11: {  	[smem:$0x3FB1] =	sst s9;
	s0 =	simm.s32 @!p0 $0x0  }
0x12: {  	s1 =	sld [smem:$0x3F97];
	s0 =	simm.s32 @p0 $0x1  }
0x13: {  	[smem:$0x3FB2] =	sst s0;
	s0 =	simm.s32 @!p1 $0x0  }
0x14: {  	s2 =	sld [smem:$0x3F96];
	s0 =	simm.s32 @p1 $0x1  }
0x15: {  	[smem:$0x3FB3] =	sst s0;
	s0 =	simm.s32 @!p2 $0x0  }
0x16: {  	s3 =	sld [smem:$0x3FDB];
	s0 =	simm.s32 @p2 $0x1  }
0x17: {  	s4 =	simm.s32 $0x1BF5;
	[smem:$0x3FB5] =	sst s0  }
0x18: {  	s0 =	sld [smem:$0x3F98];
	_ =	swait.ge [sflag:s4], $0x0  }
0x19: {  	s7 =	sld [smem:$0x3F99]  }
0x1a: {  	s8 =	sadd.s32 $0xFFFFE003, lr  }
0x1b: {  	s9 =	sadd.s32 $0xFFFFFEF7, lr;
	s5 =	simm.s32 $0xFFFFFFFF;
	p2 =	slt.u32 s8, $0xFFFFF086  }
0x1c: {  	p1 =	slt.u32 s9, $0xF7A;
	s5 =	simm.s32 @!p2 $0x0  }
0x1d: {  	s5 =	simm.s32 @p1 $0x1;
	p0 =	seq.s32 s7, s2  }
0x1e: {  	s7 =	smul.u32 @!p0 $0xF7A, s2;
	p2 =	seq.s32 @!p0 s5, $0x0  }
0x1f: {  	s9 =	smul.u32 $0xF7A, s1;
	s8 =	simm.s32 @!p0 $0x1BF5;
	p2 =	por !p2, p0  }
0x20: {  	[sflag:s8] =	ssyncset.s32 @!p0 $0xFFFFF086;
	s6 =	sadd.s32 @!p0 s3, s7;
	s7 =	simm.s32 @!p0 $0x108  }
0x21: {  	s3 =	sadd.s32 s3, s9;
	s6 =	sadd.s32 @!p0 $0x88, s6;
	s7 =	simm.s32 @p2 $0x1082  }
0x22: {  	[simem:s7], [sflag:s8] =	dma.local @!p0 [hbm:s6], $0xF7A  }
0x23: {  	s9 =	sor.u32 $0xD0000000, s2;
	s6 =	simm.s32 $0x108;
	_ =	swait.ge @!p0 [sflag:s8], $0x0  }
0x24: {  	s3 =	sadd.s32 $0x88, s3;
	s6 =	simm.s32 @!p1 $0x1082;
	[sflag:s4] =	ssyncset.s32 $0xFFFFF086  }
0x25: {  	[simem:s6], [sflag:s4] =	dma.local [hbm:s3], $0xF7A  }
0x26: {  	[smem:$0x3F99] =	sst s1;
	(tag) =	ssettag s2;
	_ =	strace s9  }
0x27: {  	s1 =	sld [smem:$0x3FA9]  }
0x28: {  	s2 =	sld [smem:$0x3FAA]  }
0x29: {  	s4 =	sld [smem:$0x3FAC]  }
0x2a: {  	p0 =	seq.s32 s5, $0x0;
	s5 =	sld [smem:$0x3FAD]  }
0x2b: {  	s6 =	sld [smem:$0x3FAE]  }
0x2c: {  	s7 =	sld [smem:$0x3FAF]  }
0x2d: {  	s3 =	simm.s32 $0x108;
	s8 =	sld [smem:$0x3FB0]  }
0x2e: {  	s3 =	simm.s32 @!p0 $0x1082;
	s9 =	sld [smem:$0x3FB1]  }
0x2f: {  	lr =	sadd.s32 s0, s3;
	s0 =	sld [smem:$0x3FA8]  }
0x30: {  	s3 =	sld [smem:$0x3FAB]  }
0x31: {  	[smem:$0x3FB4] =	sst s10  }
0x32: {  	s10 =	sld [smem:$0x3FB2];
	_ =	sdelay $0x3  }
0x33: {  	p0 =	seq.s32 s10, $0x1;
	s10 =	sld [smem:$0x3FB4];
	_ =	sdelay $0x3  }
0x34: {  	[smem:$0x3FB4] =	sst s10  }
0x35: {  	s10 =	sld [smem:$0x3FB3];
	_ =	sdelay $0x3  }
0x36: {  	p1 =	seq.s32 s10, $0x1;
	s10 =	sld [smem:$0x3FB4];
	_ =	sdelay $0x3  }
0x37: {  	[smem:$0x3FB4] =	sst s10  }
0x38: {  	s10 =	sld [smem:$0x3FB5]  }
0x39: {  	_ = 	snop;
	(pc) =	sbr.ind lr, $3  }
0x3a: {  	_ = 	snop  }
0x3b: {  	_ = 	snop  }
0x3c: {  	p2 =	seq.s32 s10, $0x1;
	s10 =	sld [smem:$0x3FB4]  }
0x3d: {  	_ =	shalt  }
0x3e: {  	_ =	shalt  }
0x3f: {  	_ =	shalt  }
0x40: {  	_ =	shalt  }
0x41: {  	_ =	shalt  }
0x42: {  	_ =	shalt  }
0x43: {  	_ =	shalt  }
0x44: {  	_ =	shalt  }
0x45: {  	_ =	shalt  }
0x46: {  	_ =	shalt  }
0x47: {  	_ =	shalt  }
0x48: {  	_ =	shalt  }
0x49: {  	_ =	shalt  }
0x4a: {  	_ =	shalt  }
0x4b: {  	_ =	shalt  }
0x4c: {  	_ =	shalt  }
0x4d: {  	_ =	shalt  }
0x4e: {  	_ =	shalt  }
0x4f: {  	_ =	shalt  }
0x50: {  	_ =	shalt  }
0x51: {  	_ =	shalt  }
0x52: {  	_ =	shalt  }
0x53: {  	_ =	shalt  }
0x54: {  	_ =	shalt  }
0x55: {  	_ =	shalt  }
0x56: {  	_ =	shalt  }
0x57: {  	_ =	shalt  }
0x58: {  	_ =	shalt  }
0x59: {  	_ =	shalt  }
0x5a: {  	_ =	shalt  }
0x5b: {  	_ =	shalt  }
0x5c: {  	_ =	shalt  }
0x5d: {  	_ =	shalt  }
0x5e: {  	_ =	shalt  }
0x5f: {  	_ =	shalt  }
0x60: {  	_ =	shalt  }
0x61: {  	_ =	shalt  }
0x62: {  	_ =	shalt  }
0x63: {  	_ =	shalt  }
0x64: {  	_ =	shalt  }
0x65: {  	_ =	shalt  }
0x66: {  	_ =	shalt  }
0x67: {  	_ =	shalt  }
0x68: {  	_ =	shalt  }
0x69: {  	_ =	shalt  }
0x6a: {  	_ =	shalt  }
0x6b: {  	_ =	shalt  }
0x6c: {  	_ =	shalt  }
0x6d: {  	_ =	shalt  }
0x6e: {  	_ =	shalt  }
0x6f: {  	_ =	shalt  }
0x70: {  	_ =	shalt  }
0x71: {  	_ =	shalt  }
0x72: {  	_ =	shalt  }
0x73: {  	_ =	shalt  }
0x74: {  	_ =	shalt  }
0x75: {  	_ =	shalt  }
0x76: {  	_ =	shalt  }
0x77: {  	_ =	shalt  }
0x78: {  	_ =	shalt  }
0x79: {  	_ =	shalt  }
0x7a: {  	_ =	shalt  }
0x7b: {  	_ =	shalt  }
0x7c: {  	_ =	shalt  }
0x7d: {  	_ =	shalt  }
0x7e: {  	_ =	shalt  }
0x7f: {  	_ =	shalt  }
0x80: {  	_ =	shalt  }
0x81: {  	_ =	shalt  }
0x82: {  	_ =	shalt  }
0x83: {  	_ =	shalt  }
0x84: {  	_ =	shalt  }
0x85: {  	_ =	shalt  }
0x86: {  	_ =	shalt  }
0x87: {  	_ =	shalt  }
.Lfunc_end0:
.L_simem_size_0:
called_computation_lowered:
.L_overlay_start_0:
0x88: {  	s2 =	sld [smem:$0x3FD9]  }
0x89: {  	s3 =	sld [smem:$0x3FFE];
	_ =	sdelay $0x1  }
0x8a: {  	s1 =	srdreg.scid  }
0x8b: {  	s0 =	sand.u32 $0x1, s1  }
0x8c: {  	s17 =	sshll.u32 s0, $0xA;
	s2 =	sadd.s32 s3, s2  }
0x8d: {  	s2 =	sadd.s32 s2, s17  }
0x8e: {  	[smem:$0x3FC0] =	sst s2  }
0x8f: {  	_ = 	snop  }
0x90: {  	s2 =	sld [smem:$0x3FC8]  }
0x91: {  	s18 =	sld [smem:$0x3FC7]  }
0x92: {  	s4 =	sld [smem:$0x3FD0];
	(tm) =	ssettm $0x1  }
0x93: {  	s5 =	sld [smem:$0x3FFB];
	_ =	sdelay $0x3  }
0x94: {  	_ =	strace s5  }
0x95: {  	s5 =	sld [smem:$0x3FFC];
	_ =	sdelay $0x3  }
0x96: {  	_ =	strace s5  }
0x97: {  	s5 =	sld [smem:$0x3FFD];
	_ =	sdelay $0x3  }
0x98: {  	_ =	strace s5  }
0x99: {  	_ =	strace $0x8FFFFFFF  }
0x9a: {  	s19 =	sld [smem:$0x3FDB];
	_ =	sdelay $0x1  }
0x9b: {  	s6 =	simm.s32 $_scs_section_size  }
0x9c: {  	s7 =	simm.s32 $_size__tile_overlayer_lowered;
	s8 =	simm.s32 $_tile_overlayer_lowered  }
0x9d: {  	s22 =	simm.s32 $0x1BFF;
	s21 =	sshll.u32 s8, $0x1;
	s5 =	sadd.s32 s6, s19  }
0x9e: {  	s9 =	simm.s32 $0x0;
	s20 =	sshll.u32 s7, $0x1;
	s7 =	sadd.s32 s21, s5  }
0x9f: {  	[timem:s9], [sflag:s22] =	dma.local [hbm:s7], s20  }
0xa0: {  	_ =	swait.ge [sflag:s22], s20  }
0xa1: {  	s6 =	ssub.s32 $0x0, s20;
	[sflag:s22] =	ssyncset.done $0x0  }
0xa2: {  	[sflag:s22] =	ssyncadd.s32 s6;
	_ =	sdelay $0x1  }
0xa3: {  	s23 =	simm.s32 $0x1B8B  }
0xa4: {  	_ =	swait.ge [sflag:s23], $0x1  }
0xa5: {  	[sflag:s23] =	ssyncset.done $0x0  }
0xa6: {  	s25 =	simm.s32 $0x1B8E;
	s24 =	sld [smem:$0x3FFE];
	[sflag:s23] =	ssyncadd.s32 $0xFFFFFFFF  }
0xa7: {  	s26 =	simm.s32 $execute0_lowered;
	[smem:$0x3FD2] =	sst s25  }
0xa8: {  	s7 =	sshll.u32 s26, $0x1;
	_ =	strace $0x80000046;
	[dreg:$0x1] =	wrdreg $0xFFFFFFFF  }
0xa9: {  	s28 =	simm.s32 $_size_execute0_lowered;
	s5 =	sadd.s32 s5, s7;
	[dreg:$0x0] =	wrdreg $0x0  }
0xaa: {  	s7 =	sshll.u32 s28, $0x1;
	[dreg:$0x2] =	wrdreg s5  }
0xab: {  	[dreg:$0x3] =	wrdreg s7  }
0xac: {  	[dreg:$0x4] =	wrdreg $0xC0  }
0xad: {  	_ =	task [dreg:s9], $0x5FFFF  }
0xae: {  	[dreg:$0x1] =	wrdreg $0xFFFFFFFF  }
0xaf: {  	[dreg:$0x0] =	wrdreg $0x60  }
0xb0: {  	[dreg:$0x2] =	wrdreg s2  }
0xb1: {  	[dreg:$0x3] =	wrdreg s18  }
0xb2: {  	[dreg:$0x4] =	wrdreg s24  }
0xb3: {  	[dreg:$0x5] =	wrdreg s4  }
0xb4: {  	[dreg:$0x6] =	wrdreg $0x9  }
0xb5: {  	_ =	task.clear_ibuf [dreg:s9], $0x7FFFF;
	_ =	strace $0x90000046  }
0xb6: {  	s29 =	simm.s32 $0x9;
	_ =	strace $0x8000004E  }
0xb7: {  	_ =	swait.ge [sflag:s29], $0x1  }
0xb8: {  	[sflag:s29] =	ssyncadd.s32 $0xFFFFFFFF  }
0xb9: {  	_ =	strace $0x9000004E  }
0xba: {  	_ =	sfence  }
0xbb: {  	s30 =	sld [smem:$0x0];
	_ =	sdelay $0x2  }
0xbc: {  	s31 =	sshll.u32 s1, $0xD;
	s1 =	sshrl.u32 s1, $0x2  }
0xbd: {  	s3 =	sand.u32 $0x4000, s31;
	s1 =	sadd.s32 s1, s30  }
0xbe: {  	s0 =	sor.u32 s3, s0;
	s1 =	sshll.u32 s1, $0x11  }
0xbf: {  	s0 =	sor.u32 s1, s0  }
0xc0: {  	s0 =	sadd.s32 $0x8F2B, s0  }
0xc1: {  	[sflag:s0] =	ssyncadd.remote.s32 $0x1  }
0xc2: {  	_ =	sfence.sel $0xFFFF  }
0xc3: {  	[dreg:$0x0] =	wrdreg $0xFFFFFFFF;
	(pc) =	sbr.abs _section_cstart, $3  }
0xc4: {  	[dreg:$0x1] =	wrdreg $0xFFFFFFFF  }
0xc5: {  	_ =	task.clear_ibuf [dreg:s9], $0x2FFFF;
	_ =	strace $0x9FFFFFFF  }
0xc6: {  	(tm) =	ssettm $0x7FFFFFFF  }
0xc7: {  	_ =	shalt  }
tec
execute0_lowered:
.L_overlay_start_1:
0x0: {  	(tag) =	ssettag $0x1  }
0x1: {  	s1 =	rddreg [dreg:$0x0]  }
0x2: {  	s3 =	rddreg [dreg:$0x1]  }
0x3: {  	s12 =	rddreg [dreg:$0x2]  }
0x4: {  	s11 =	rddreg [dreg:$0x3];
	s4 =	simm.s32 $0x0;
	s2 =	stileid.u32  }
0x5: {  	[smem:$0x7FF] =	sst s4;
	s5 =	sshll.u32 s2, $0x4  }
0x6: {  	s0 =	rddreg [dreg:$0x4];
	_ =	strace $0x80000047;
	s5 =	sadd.s32 s5, s12  }
0x7: {  	s5 =	sadd.s32 $0x1800, s5;
	_ =	strace $0x80000048  }
0x8: {  	[tilespmem:s4], [sflag:$0x1] =	stream.linear.gather [hbm4b:s5+s4], $0x80, $0x200038;
	[tilespmem:$0x10100] =	vst v63  }
0x9: {  	_ =	strace $0x90000048  }
0xa: {  	s6 =	simm.s32 $0x1;
	_ =	strace $0x80000049  }
0xb: {  	_ =	swait.ge [sflag:s6], $0x80  }
0xc: {  	[sflag:s6] =	ssyncset.done $0x0  }
0xd: {  	[sflag:s6] =	ssyncadd.s32 $0xFFFFFF80  }
0xe: {  	s7 =	simm.s32 $0x80;
	_ =	strace $0x90000049  }
0xf: {  	s8 =	simm.s32 $0x100;
	s9 =	simm.s32 $0x7;
	_ =	strace $0x8000004A  }
0x10: {  	[tilespmem:s8], [sflag:$0x7] =	stream.indirect.gather [hbm4b:s1+s7], $0x80, s4, s7, $0x2000b8;
	[tilespmem:$0x10100] =	vst v63  }
0x11: {  	_ =	swait.ge [sflag:s9], $0x4000  }
0x12: {  	[sflag:s9] =	ssyncset.done $0x0  }
0x13: {  	s10 =	simm.s32 $0x8100;
	[sflag:s9] =	ssyncadd.s32 $0xFFFFC000  }
0x14: {  	[tilespmem:s10], [sflag:$0x7] =	stream.indirect.gather [hbm4b:s3+s7], $0x80, s4, s7, $0x2000b8;
	[tilespmem:$0x10100] =	vst v63  }
0x15: {  	_ =	swait.ge [sflag:s9], $0x4000  }
0x16: {  	[sflag:s9] =	ssyncset.done $0x0  }
0x17: {  	[sflag:s9] =	ssyncadd.s32 $0xFFFFC000  }
0x18: {  	s31 =	srdreg.scid;
	s13 =	sshll.u32 s2, $0xB;
	_ =	strace $0x9000004A  }
0x19: {  	s14 =	sand.u32 $0x1, s31;
	s11 =	sadd.s32 s11, s13;
	_ =	strace $0x8000004B  }
0x1a: {  	[hbm4b:s11+s4] =	stream.linear.scatter [tilespmem:s8], [sflag:$0x3], $0x4000, $0x200038;
	[tilespmem:$0x10100] =	vst v63  }
0x1b: {  	s12 =	sadd.s32 s13, s12;
	s14 =	ssub.s32 $0x2, s14;
	_ =	strace $0x9000004B  }
0x1c: {  	s12 =	sadd.s32 $0x1A00, s12;
	s15 =	sshrl.u32 s14, $0x1;
	_ =	strace $0x8000004C  }
0x1d: {  	[hbm4b:s12+s4] =	stream.linear.scatter [tilespmem:s10], [sflag:$0x5], $0x4000, $0x200038;
	[tilespmem:$0x10100] =	vst v63  }
0x1e: {  	s15 =	ssub.s32 s14, s15;
	_ =	strace $0x9000004C  }
0x1f: {  	s13 =	simm.s32 $0x3;
	s15 =	smax.u32 s15, $0x1;
	_ =	strace $0x8000004D  }
0x20: {  	p0 =	sne.s32 s15, $0x1;
	_ =	swait.ge [sflag:s13], $0x4000  }
.Ltmp0:
0x21: {  	[sflag:s13] =	ssyncset.done $0x0;
	(pc) =	sbr.rel @!p0 .LBB2_2-.Ltmp0, $4  }
0x22: {  	s14 =	simm.s32 $0x5;
	[sflag:s13] =	ssyncadd.s32 $0xFFFFC000  }
0x23: {  	_ =	swait.ge [sflag:s14], $0x4000  }
0x24: {  	[sflag:s14] =	ssyncset.done $0x0  }
0x25: {  	s15 =	sadd.s32 $0xFFFFFFFF, s15;
	[sflag:s14] =	ssyncadd.s32 $0xFFFFC000  }
.LBB2_1:
0x26: {  	p0 =	sne.s32 s15, $0x1;
	s15 =	sadd.s32 $0xFFFFFFFF, s15;
	_ =	strace $0x9000004D  }
0x27: {  	_ =	strace $0x80000048  }
0x28: {  	[tilespmem:s4], [sflag:$0x1] =	stream.linear.gather [hbm4b:s5+s4], $0x80, $0x200038;
	[tilespmem:$0x10100] =	vst v63  }
0x29: {  	_ =	strace $0x90000048  }
0x2a: {  	_ =	strace $0x80000049  }
0x2b: {  	_ =	swait.ge [sflag:s6], $0x80  }
0x2c: {  	[sflag:s6] =	ssyncset.done $0x0  }
0x2d: {  	[sflag:s6] =	ssyncadd.s32 $0xFFFFFF80  }
0x2e: {  	_ =	strace $0x90000049  }
0x2f: {  	_ =	strace $0x8000004A  }
0x30: {  	[tilespmem:s8], [sflag:$0x7] =	stream.indirect.gather [hbm4b:s1+s7], $0x80, s4, s7, $0x2000b8;
	[tilespmem:$0x10100] =	vst v63  }
0x31: {  	_ =	swait.ge [sflag:s9], $0x4000  }
0x32: {  	[sflag:s9] =	ssyncset.done $0x0  }
0x33: {  	[sflag:s9] =	ssyncadd.s32 $0xFFFFC000  }
0x34: {  	[tilespmem:s10], [sflag:$0x7] =	stream.indirect.gather [hbm4b:s3+s7], $0x80, s4, s7, $0x2000b8;
	[tilespmem:$0x10100] =	vst v63  }
0x35: {  	_ =	swait.ge [sflag:s9], $0x4000  }
0x36: {  	[sflag:s9] =	ssyncset.done $0x0  }
0x37: {  	[sflag:s9] =	ssyncadd.s32 $0xFFFFC000  }
0x38: {  	_ =	strace $0x9000004A  }
0x39: {  	_ =	strace $0x8000004B  }
0x3a: {  	[hbm4b:s11+s4] =	stream.linear.scatter [tilespmem:s8], [sflag:$0x3], $0x4000, $0x200038;
	[tilespmem:$0x10100] =	vst v63  }
0x3b: {  	_ =	strace $0x9000004B  }
0x3c: {  	_ =	strace $0x8000004C  }
0x3d: {  	[hbm4b:s12+s4] =	stream.linear.scatter [tilespmem:s10], [sflag:$0x5], $0x4000, $0x200038;
	[tilespmem:$0x10100] =	vst v63  }
0x3e: {  	_ =	strace $0x9000004C  }
0x3f: {  	_ =	strace $0x8000004D  }
0x40: {  	_ =	swait.ge [sflag:s13], $0x4000  }
.Ltmp1:
0x41: {  	[sflag:s13] =	ssyncset.done $0x0;
	(pc) =	sbr.rel @p0 .LBB2_1-.Ltmp1, $4  }
0x42: {  	[sflag:s13] =	ssyncadd.s32 $0xFFFFC000  }
0x43: {  	_ =	swait.ge [sflag:s14], $0x4000  }
0x44: {  	[sflag:s14] =	ssyncset.done $0x0  }
0x45: {  	[sflag:s14] =	ssyncadd.s32 $0xFFFFC000  }
.LBB2_2:
0x46: {  	_ =	strace $0x9000004D  }
0x47: {  	_ =	sfence.sel $0x180000  }
0x48: {  	[bflag:$0x0] =	sbarrier.arrive $0xFFFF  }
0x49: {  	p0 =	sne.s32 s2, $0x0;
	_ =	strace $0x90000047  }
0x4a: {  	s0 =	sadd.s32 @!p0 $0x100000, s0;
	[bflag:$0x2] =	sbarrier.arrive $0xFFFF  }
0x4b: {  	[sflag:s0] =	ssyncadd.tile.s32 @!p0 $0x1;
	_ =	shalt  }
.Lfunc_end2:
_tile_overlayer_lowered:
.L_overlay_start_2:
0x4c: {  	(tag) =	ssettag $0x2  }
0x4d: {  	s0 =	rddreg [dreg:$0x0];
	s2 =	stileid.u32  }
0x4e: {  	s1 =	rddreg [dreg:$0x1];
	p0 =	sne.s32 s2, $0x0  }
0x4f: {  	s3 =	rddreg [dreg:$0x2];
	[bflag:$0x3] =	sbarrier.arrive $0xFFFF;
	s2 =	simm.s32 @!p0 $0x1C01  }
0x50: {  	[timem:s3], [sflag:s2] =	dma.local @!p0 [hbm:s0], s1  }
0x51: {  	s0 =	simm.s32 @!p0 $0x1  }
0x52: {  	_ =	swait.ge @!p0 [sflag:s0], s1  }
0x53: {  	s1 =	ssub.s32 @!p0 $0x0, s1;
	[sflag:s0] =	ssyncset.done @!p0 $0x0  }
0x54: {  	[sflag:s0] =	ssyncadd.s32 @!p0 s1  }
0x55: {  	[bflag:$0x3] =	sbarrier.arrive $0xFFFF  }
0x56: {  	_ =	shalt  }

</sc_bundles>
